<compile_context>
chip_gen: v7x
topology: tpu7x:2x2x1
jax: 0.10.2.dev20260603
libtpu: 0.0.44.dev20260713+nightly
codegen_flags: <defaults>
</compile_context>

<pallas_src>
import jax
import jax.numpy as jnp
from jax import lax
from jax.experimental import pallas as pl
from jax.experimental.pallas import tpu as pltpu
from jax.experimental.pallas import tpu_sc as plsc

_H = 768
_FF = 1536
_E = 64
_T = 4096
_BT = 1024
_NT = _T // _BT
_BB = 128
_P = _T + _E * _BB
_G = _P // _BB
_NW = 32
_CHUNK = _T // _NW


def _router_body(x_ref, gw_ref, eid_ref, wgt_ref, rank_ref, cnt_ref,
                 pstart_ref, te_ref, valid_ref, gx_ref):
    i = pl.program_id(0)
    x = x_ref[...]
    logits = lax.dot_general(x, gw_ref[...], (((1,), (1,)), ((), ())),
                             preferred_element_type=jnp.float32)
    lmax = jnp.max(logits, axis=1, keepdims=True)
    ex = jnp.exp(logits - lmax)
    wgt = 1.0 / jnp.sum(ex, axis=1, keepdims=True)
    eid = jnp.argmax(logits, axis=1).astype(jnp.int32)
    col = lax.broadcasted_iota(jnp.int32, (_BT, _E), 1)
    onehot = (col == eid[:, None]).astype(jnp.float32)
    r = lax.broadcasted_iota(jnp.int32, (_BT, _BT), 0)
    c = lax.broadcasted_iota(jnp.int32, (_BT, _BT), 1)
    tril = (c < r).astype(jnp.float32)
    prior = lax.dot_general(tril, onehot, (((1,), (0,)), ((), ())),
                            preferred_element_type=jnp.float32)

    @pl.when(i == 0)
    def _():
        cnt_ref[...] = jnp.zeros_like(cnt_ref)

    running = cnt_ref[...]
    rank = jnp.sum((prior + running) * onehot, axis=1, keepdims=True)
    cnt = running + jnp.sum(onehot, axis=0, keepdims=True)
    cnt_ref[...] = cnt
    eid_ref[...] = eid[:, None]
    wgt_ref[...] = wgt
    rank_ref[...] = rank.astype(jnp.int32)

    @pl.when(i == _NT - 1)
    def _():
        pc = jnp.ceil(cnt * (1.0 / _BB)) * _BB
        er = lax.broadcasted_iota(jnp.int32, (_E, _E), 0)
        ec = lax.broadcasted_iota(jnp.int32, (_E, _E), 1)
        m = (er <= ec).astype(jnp.float32)
        csum = lax.dot_general(pc, m, (((1,), (0,)), ((), ())),
                               preferred_element_type=jnp.float32)
        pstart_ref[...] = (csum - pc).astype(jnp.int32)

        total = jnp.max(csum)
        gb = (lax.broadcasted_iota(jnp.int32, (_G, 1), 0) * _BB
              ).astype(jnp.float32)
        csum_b = jnp.broadcast_to(csum, (_G, _E))
        te = jnp.sum((csum_b <= gb).astype(jnp.float32), axis=1, keepdims=True)
        last_used = jnp.sum((csum < total).astype(jnp.float32))
        te_ref[...] = jnp.minimum(te, last_used).astype(jnp.int32)
        valid_ref[...] = (gb < total).astype(jnp.int32)
        gi = lax.broadcasted_iota(jnp.int32, (_G, 1), 0).astype(jnp.float32)
        gx_ref[...] = jnp.minimum(gi, total * (1.0 / _BB) - 1.0
                                  ).astype(jnp.int32)


_NCH = 8
_CH = _CHUNK // _NCH


def _sc_scatter_body(x_hbm, wgt_hbm, eid_hbm, rank_hbm, ps_hbm,
                     xs_hbm, ww_hbm, pos_hbm,
                     rows_v, w_v, eid_v, rank_v, base_v,
                     i0, i1, i2, i3, i4, i5, i6, i7,
                     sem_x, sem_m, sem_r, sem_w, sem_p):
    wid = lax.axis_index("s") * 2 + lax.axis_index("c")
    base = wid * _CHUNK
    idxs = (i0, i1, i2, i3, i4, i5, i6, i7)
    cp_x = [pltpu.async_copy(x_hbm.at[pl.ds(base + k * _CH, _CH)],
                             rows_v.at[pl.ds(k * _CH, _CH)], sem_x)
            for k in range(_NCH)]
    cp_e = pltpu.async_copy(eid_hbm.at[pl.ds(base, _CHUNK)], eid_v, sem_m)
    cp_k = pltpu.async_copy(rank_hbm.at[pl.ds(base, _CHUNK)], rank_v, sem_m)
    cp_w = pltpu.async_copy(wgt_hbm.at[pl.ds(base, _CHUNK)], w_v, sem_w)
    cp_e.wait()
    cp_g = pltpu.async_copy(ps_hbm.at[eid_v], base_v, sem_m)
    cp_k.wait()
    cp_g.wait()
    for k in range(_NCH):
        for j in range(_CH // 16):
            sl = pl.ds(k * _CH + j * 16, 16)
            idxs[k][pl.ds(j * 16, 16)] = base_v[sl] + rank_v[sl]
    pend = [pltpu.async_copy(idxs[k], pos_hbm.at[pl.ds(base + k * _CH, _CH)],
                             sem_p)
            for k in range(_NCH)]
    cp_w.wait()
    for k in range(_NCH):
        pend.append(pltpu.async_copy(w_v.at[pl.ds(k * _CH, _CH)],
                                     ww_hbm.at[idxs[k]], sem_w))
        cp_x[k].wait()
        pend.append(pltpu.async_copy(rows_v.at[pl.ds(k * _CH, _CH)],
                                     xs_hbm.at[idxs[k]], sem_r))
    for cp in pend:
        cp.wait()


def _sc_gather_body(ys_hbm, pos_hbm, out_hbm, idx_v, rows_v, sem):
    wid = lax.axis_index("s") * 2 + lax.axis_index("c")
    base = wid * _CHUNK
    pltpu.sync_copy(pos_hbm.at[pl.ds(base, _CHUNK)], idx_v)
    pltpu.async_copy(ys_hbm.at[idx_v], rows_v, sem).wait()
    pltpu.sync_copy(rows_v, out_hbm.at[pl.ds(base, _CHUNK)])


def _moe_body(te_ref, valid_ref, gx_ref, xs_ref, wsg_ref, wsu_ref,
              w2a_ref, w2b_ref, ww_ref, out_ref):
    g = pl.program_id(0)

    @pl.when(valid_ref[g] != 0)
    def _():
        x = xs_ref[...]
        gate = lax.dot_general(x, wsg_ref[0, 0], (((1,), (1,)), ((), ())),
                               preferred_element_type=jnp.float32)
        up = lax.dot_general(x, wsu_ref[0, 0], (((1,), (1,)), ((), ())),
                             preferred_element_type=jnp.float32)
        h = (gate * jax.nn.sigmoid(gate) * up) * ww_ref[...]
        ya = lax.dot_general(h, w2a_ref[0], (((1,), (1,)), ((), ())),
                             preferred_element_type=jnp.float32)
        yb = lax.dot_general(h, w2b_ref[0], (((1,), (1,)), ((), ())),
                             preferred_element_type=jnp.float32)
        out_ref[:, : _H // 2] = ya
        out_ref[:, _H // 2:] = yb


def _router_call(x, gate_w):
    return pl.pallas_call(
        _router_body,
        grid=(_NT,),
        in_specs=[
            pl.BlockSpec((_BT, _H), lambda i: (i, 0)),
            pl.BlockSpec((_E, _H), lambda i: (0, 0)),
        ],
        out_specs=[
            pl.BlockSpec((_BT, 1), lambda i: (i, 0)),
            pl.BlockSpec((_BT, 1), lambda i: (i, 0)),
            pl.BlockSpec((_BT, 1), lambda i: (i, 0)),
            pl.BlockSpec((1, _E), lambda i: (0, 0)),
            pl.BlockSpec((1, _E), lambda i: (0, 0)),
            pl.BlockSpec((_G, 1), lambda i: (0, 0)),
            pl.BlockSpec((_G, 1), lambda i: (0, 0)),
            pl.BlockSpec((_G, 1), lambda i: (0, 0)),
        ],
        out_shape=[
            jax.ShapeDtypeStruct((_T, 1), jnp.int32),
            jax.ShapeDtypeStruct((_T, 1), jnp.float32),
            jax.ShapeDtypeStruct((_T, 1), jnp.int32),
            jax.ShapeDtypeStruct((1, _E), jnp.float32),
            jax.ShapeDtypeStruct((1, _E), jnp.int32),
            jax.ShapeDtypeStruct((_G, 1), jnp.int32),
            jax.ShapeDtypeStruct((_G, 1), jnp.int32),
            jax.ShapeDtypeStruct((_G, 1), jnp.int32),
        ],
    )(x, gate_w)


def _scatter_call(x, wgt, eid, rank, pstart):
    f = pl.kernel(
        _sc_scatter_body,
        out_type=[
            jax.ShapeDtypeStruct((_P, _H), jnp.float32),
            jax.ShapeDtypeStruct((_P,), jnp.float32),
            jax.ShapeDtypeStruct((_T,), jnp.int32),
        ],
        mesh=plsc.VectorSubcoreMesh(core_axis_name="c", subcore_axis_name="s"),
        scratch_types=[
            pltpu.VMEM((_CHUNK, _H), jnp.float32),
            pltpu.VMEM((_CHUNK,), jnp.float32),
            pltpu.VMEM((_CHUNK,), jnp.int32),
            pltpu.VMEM((_CHUNK,), jnp.int32),
            pltpu.VMEM((_CHUNK,), jnp.int32),
            pltpu.VMEM((_CH,), jnp.int32),
            pltpu.VMEM((_CH,), jnp.int32),
            pltpu.VMEM((_CH,), jnp.int32),
            pltpu.VMEM((_CH,), jnp.int32),
            pltpu.VMEM((_CH,), jnp.int32),
            pltpu.VMEM((_CH,), jnp.int32),
            pltpu.VMEM((_CH,), jnp.int32),
            pltpu.VMEM((_CH,), jnp.int32),
            pltpu.SemaphoreType.DMA,
            pltpu.SemaphoreType.DMA,
            pltpu.SemaphoreType.DMA,
            pltpu.SemaphoreType.DMA,
            pltpu.SemaphoreType.DMA,
        ],
    )
    return f(x, wgt, eid, rank, pstart)


def _gather_call(ys, pos):
    f = pl.kernel(
        _sc_gather_body,
        out_type=jax.ShapeDtypeStruct((_T, _H), jnp.float32),
        mesh=plsc.VectorSubcoreMesh(core_axis_name="c", subcore_axis_name="s"),
        scratch_types=[
            pltpu.VMEM((_CHUNK,), jnp.int32),
            pltpu.VMEM((_CHUNK, _H), jnp.float32),
            pltpu.SemaphoreType.DMA,
        ],
    )
    return f(ys, pos)


def _moe_call(te, valid, gx, xs, ws, w2s, ww):
    ws4 = ws.reshape(_E, 2, _FF, _H)
    grid_spec = pltpu.PrefetchScalarGridSpec(
        num_scalar_prefetch=3,
        grid=(_G,),
        in_specs=[
            pl.BlockSpec((_BB, _H), lambda g, te, v, gx: (gx[g], 0)),
            pl.BlockSpec((1, 1, _FF, _H),
                         lambda g, te, v, gx: (te[g], 0, 0, 0)),
            pl.BlockSpec((1, 1, _FF, _H),
                         lambda g, te, v, gx: (te[g], 1, 0, 0)),
            pl.BlockSpec((1, _H // 2, _FF),
                         lambda g, te, v, gx: (te[g], 0, 0)),
            pl.BlockSpec((1, _H // 2, _FF),
                         lambda g, te, v, gx: (te[g], 1, 0)),
            pl.BlockSpec((_BB, 1), lambda g, te, v, gx: (gx[g], 0)),
        ],
        out_specs=pl.BlockSpec((_BB, _H), lambda g, te, v, gx: (gx[g], 0)),
    )
    return pl.pallas_call(
        _moe_body,
        grid_spec=grid_spec,
        out_shape=jax.ShapeDtypeStruct((_P, _H), jnp.float32),
        compiler_params=pltpu.CompilerParams(
            vmem_limit_bytes=100 * 1024 * 1024,
        ),
    )(te, valid, gx, xs, ws4, ws4, w2s, w2s, ww)


def kernel(hidden_states, gate_w, ws, w2s):
    x = hidden_states
    eid, wgt, rank, _, pstart, te, valid, gx = _router_call(x, gate_w)
    xs, ww, pos = _scatter_call(x, wgt.reshape(_T), eid.reshape(_T),
                                rank.reshape(_T), pstart.reshape(_E))
    ys = _moe_call(te.reshape(_G), valid.reshape(_G), gx.reshape(_G),
                   xs, ws, w2s, ww.reshape(_P, 1))
    return _gather_call(ys, pos)

# --- scband reference (transcript-rebuilt; emitter-appended) ---
"""Pipeline reference for scband-arctic-mo-e-26130581029431 (READ-ONLY COPY).

The authoritative reference and input builder live on the scoring server;
editing this copy changes nothing except your own understanding.
"""

import jax, jax.numpy as jnp
import numpy as np

H = 768
FF = 1536
E = 64
TOPK = 1
T = 4096


def setup_inputs(seed: int = 0) -> dict:
    key = jax.random.key(seed)
    k0, k1, k2, k3 = jax.random.split(key, 4)
    hidden_states = jax.random.normal(k0, (T, H), dtype=jnp.float32)
    gate_w = jax.random.normal(k1, (E, H), dtype=jnp.float32) * 0.02
    ws = jax.random.normal(k2, (E, 2 * FF, H), dtype=jnp.float32) * 0.02
    w2s = jax.random.normal(k3, (E, H, FF), dtype=jnp.float32) * 0.02
    return {"hidden_states": hidden_states, "gate_w": gate_w, "ws": ws, "w2s": w2s}


def reference(hidden_states, gate_w, ws, w2s):
    # ArcticMoE.local_moe_fused (is_moe_layer=True, tp_size=1, reduce_results ignored)
    x = hidden_states
    router_logits = x @ gate_w.T  # ReplicatedLinear gate, no bias
    # fused_topk: softmax over router logits, then top-k; renormalize only if top_k > 1
    probs = jax.nn.softmax(router_logits, axis=-1)
    topk_w, topk_ids = jax.lax.top_k(probs, TOPK)  # [T, k]
    if TOPK > 1:
        topk_w = topk_w / jnp.sum(topk_w, axis=-1, keepdims=True)
    out = jnp.zeros_like(x)
    # fused_experts: per-expert gather -> w13 -> SiluAndMul -> w2 -> weighted scatter-add
    for e in range(ws.shape[0]):
        we = jnp.sum(jnp.where(topk_ids == e, topk_w, 0.0), axis=-1)[:, None]  # [T, 1]
        gate_up = x @ ws[e].T            # [T, 2*FF]
        h = jax.nn.silu(gate_up[:, :FF]) * gate_up[:, FF:]  # SiluAndMul
        ye = h @ w2s[e].T                # [T, H]
        out = out + we * ye              # masked weighted accumulation
    return out

if __name__ == "__main__":
    import jax
    _d = setup_inputs()
    print(jax.jit(kernel)(*tuple(_d.values())))

</pallas_src>

<mosaic_0001>
#map = affine_map<(d0, d1) -> (0, 0)>
#map1 = affine_map<(d0, d1) -> (0)>
module attributes {stable_mosaic.version = 14 : i64} {
  func.func @_sc_scatter_body(%arg0: i32, %arg1: i32, %arg2: memref<4096x768xf32, #tpu.memory_space<hbm>>, %arg3: memref<4096xf32, #tpu.memory_space<hbm>>, %arg4: memref<4096xi32, #tpu.memory_space<hbm>>, %arg5: memref<4096xi32, #tpu.memory_space<hbm>>, %arg6: memref<64xi32, #tpu.memory_space<hbm>>, %arg7: memref<12288x768xf32, #tpu.memory_space<hbm>>, %arg8: memref<12288xf32, #tpu.memory_space<hbm>>, %arg9: memref<4096xi32, #tpu.memory_space<hbm>>, %arg10: memref<128x768xf32, #tpu.memory_space<vmem>>, %arg11: memref<128xf32, #tpu.memory_space<vmem>>, %arg12: memref<128xi32, #tpu.memory_space<vmem>>, %arg13: memref<128xi32, #tpu.memory_space<vmem>>, %arg14: memref<128xi32, #tpu.memory_space<vmem>>, %arg15: memref<16xi32, #tpu.memory_space<vmem>>, %arg16: memref<16xi32, #tpu.memory_space<vmem>>, %arg17: memref<16xi32, #tpu.memory_space<vmem>>, %arg18: memref<16xi32, #tpu.memory_space<vmem>>, %arg19: memref<16xi32, #tpu.memory_space<vmem>>, %arg20: memref<16xi32, #tpu.memory_space<vmem>>, %arg21: memref<16xi32, #tpu.memory_space<vmem>>, %arg22: memref<16xi32, #tpu.memory_space<vmem>>, %arg23: memref<!tpu.dma_semaphore, #tpu.memory_space<semaphore_mem>>, %arg24: memref<!tpu.dma_semaphore, #tpu.memory_space<semaphore_mem>>, %arg25: memref<!tpu.dma_semaphore, #tpu.memory_space<semaphore_mem>>, %arg26: memref<!tpu.dma_semaphore, #tpu.memory_space<semaphore_mem>>, %arg27: memref<!tpu.dma_semaphore, #tpu.memory_space<semaphore_mem>>) attributes {dimension_semantics = [#tpu.dimension_semantics<core_parallel>, #tpu.dimension_semantics<subcore_parallel>], iteration_bounds = array<i64: 2, 16>, scalar_prefetch = 0 : i64, scratch_operands = 18 : i64, tpu.core_type = #tpu.core_type<sc_vector_subcore>, window_params = [{transform_indices = #map}, {transform_indices = #map1}, {transform_indices = #map1}, {transform_indices = #map1}, {transform_indices = #map1}, {transform_indices = #map}, {transform_indices = #map1}, {transform_indices = #map1}]} {
    %mul3A = arith.constant 2 : i32
    %mul3A_0 = arith.muli %arg1, %mul3A : i32
    %add3A = arith.addi %mul3A_0, %arg0 : i32
    %mul3A_1 = arith.constant 128 : i32
    %mul3A_2 = arith.muli %add3A, %mul3A_1 : i32
    %add3A_3 = arith.constant 0 : i32
    %add3A_4 = arith.addi %mul3A_2, %add3A_3 : i32
    %dma_start3A = arith.constant 0 : i32
    %dma_start3A_5 = arith.constant 0 : i32
    %dma_start3A_6 = tpu.memref_slice %arg10[%dma_start3A, %dma_start3A_5] : memref<128x768xf32, #tpu.memory_space<vmem>> -> memref<16x768xf32, #tpu.memory_space<vmem>>
    %dma_start3A_7 = arith.constant 0 : i32
    %dma_start3A_8 = tpu.memref_slice %arg2[%add3A_4, %dma_start3A_7] : memref<4096x768xf32, #tpu.memory_space<hbm>> -> memref<16x768xf32, #tpu.memory_space<hbm>>
    %dma_start3A_9 = arith.constant 0 : i32
    %dma_start3A_10 = arith.constant 0 : i32
    %dma_start3A_11 = tpu.memref_slice %arg10[%dma_start3A_9, %dma_start3A_10] : memref<128x768xf32, #tpu.memory_space<vmem>> -> memref<16x768xf32, #tpu.memory_space<vmem>>
    %dma_start3A_12 = arith.constant 0 : i32
    %dma_start3A_13 = tpu.memref_slice %arg2[%add3A_4, %dma_start3A_12] : memref<4096x768xf32, #tpu.memory_space<hbm>> -> memref<16x768xf32, #tpu.memory_space<hbm>>
    tpu.enqueue_dma source(%dma_start3A_13 : memref<16x768xf32, #tpu.memory_space<hbm>>) target(%dma_start3A_11 : memref<16x768xf32, #tpu.memory_space<vmem>>) target_semaphore(%arg23 : memref<!tpu.dma_semaphore, #tpu.memory_space<semaphore_mem>>)
    %add3A_14 = arith.constant 16 : i32
    %add3A_15 = arith.addi %mul3A_2, %add3A_14 : i32
    %dma_start3A_16 = arith.constant 16 : i32
    %dma_start3A_17 = arith.constant 0 : i32
    %dma_start3A_18 = tpu.memref_slice %arg10[%dma_start3A_16, %dma_start3A_17] : memref<128x768xf32, #tpu.memory_space<vmem>> -> memref<16x768xf32, #tpu.memory_space<vmem>>
    %dma_start3A_19 = arith.constant 0 : i32
    %dma_start3A_20 = tpu.memref_slice %arg2[%add3A_15, %dma_start3A_19] : memref<4096x768xf32, #tpu.memory_space<hbm>> -> memref<16x768xf32, #tpu.memory_space<hbm>>
    %dma_start3A_21 = arith.constant 16 : i32
    %dma_start3A_22 = arith.constant 0 : i32
    %dma_start3A_23 = tpu.memref_slice %arg10[%dma_start3A_21, %dma_start3A_22] : memref<128x768xf32, #tpu.memory_space<vmem>> -> memref<16x768xf32, #tpu.memory_space<vmem>>
    %dma_start3A_24 = arith.constant 0 : i32
    %dma_start3A_25 = tpu.memref_slice %arg2[%add3A_15, %dma_start3A_24] : memref<4096x768xf32, #tpu.memory_space<hbm>> -> memref<16x768xf32, #tpu.memory_space<hbm>>
    tpu.enqueue_dma source(%dma_start3A_25 : memref<16x768xf32, #tpu.memory_space<hbm>>) target(%dma_start3A_23 : memref<16x768xf32, #tpu.memory_space<vmem>>) target_semaphore(%arg23 : memref<!tpu.dma_semaphore, #tpu.memory_space<semaphore_mem>>)
    %add3A_26 = arith.constant 32 : i32
    %add3A_27 = arith.addi %mul3A_2, %add3A_26 : i32
    %dma_start3A_28 = arith.constant 32 : i32
    %dma_start3A_29 = arith.constant 0 : i32
    %dma_start3A_30 = tpu.memref_slice %arg10[%dma_start3A_28, %dma_start3A_29] : memref<128x768xf32, #tpu.memory_space<vmem>> -> memref<16x768xf32, #tpu.memory_space<vmem>>
    %dma_start3A_31 = arith.constant 0 : i32
    %dma_start3A_32 = tpu.memref_slice %arg2[%add3A_27, %dma_start3A_31] : memref<4096x768xf32, #tpu.memory_space<hbm>> -> memref<16x768xf32, #tpu.memory_space<hbm>>
    %dma_start3A_33 = arith.constant 32 : i32
    %dma_start3A_34 = arith.constant 0 : i32
    %dma_start3A_35 = tpu.memref_slice %arg10[%dma_start3A_33, %dma_start3A_34] : memref<128x768xf32, #tpu.memory_space<vmem>> -> memref<16x768xf32, #tpu.memory_space<vmem>>
    %dma_start3A_36 = arith.constant 0 : i32
    %dma_start3A_37 = tpu.memref_slice %arg2[%add3A_27, %dma_start3A_36] : memref<4096x768xf32, #tpu.memory_space<hbm>> -> memref<16x768xf32, #tpu.memory_space<hbm>>
    tpu.enqueue_dma source(%dma_start3A_37 : memref<16x768xf32, #tpu.memory_space<hbm>>) target(%dma_start3A_35 : memref<16x768xf32, #tpu.memory_space<vmem>>) target_semaphore(%arg23 : memref<!tpu.dma_semaphore, #tpu.memory_space<semaphore_mem>>)
    %add3A_38 = arith.constant 48 : i32
    %add3A_39 = arith.addi %mul3A_2, %add3A_38 : i32
    %dma_start3A_40 = arith.constant 48 : i32
    %dma_start3A_41 = arith.constant 0 : i32
    %dma_start3A_42 = tpu.memref_slice %arg10[%dma_start3A_40, %dma_start3A_41] : memref<128x768xf32, #tpu.memory_space<vmem>> -> memref<16x768xf32, #tpu.memory_space<vmem>>
    %dma_start3A_43 = arith.constant 0 : i32
    %dma_start3A_44 = tpu.memref_slice %arg2[%add3A_39, %dma_start3A_43] : memref<4096x768xf32, #tpu.memory_space<hbm>> -> memref<16x768xf32, #tpu.memory_space<hbm>>
    %dma_start3A_45 = arith.constant 48 : i32
    %dma_start3A_46 = arith.constant 0 : i32
    %dma_start3A_47 = tpu.memref_slice %arg10[%dma_start3A_45, %dma_start3A_46] : memref<128x768xf32, #tpu.memory_space<vmem>> -> memref<16x768xf32, #tpu.memory_space<vmem>>
    %dma_start3A_48 = arith.constant 0 : i32
    %dma_start3A_49 = tpu.memref_slice %arg2[%add3A_39, %dma_start3A_48] : memref<4096x768xf32, #tpu.memory_space<hbm>> -> memref<16x768xf32, #tpu.memory_space<hbm>>
    tpu.enqueue_dma source(%dma_start3A_49 : memref<16x768xf32, #tpu.memory_space<hbm>>) target(%dma_start3A_47 : memref<16x768xf32, #tpu.memory_space<vmem>>) target_semaphore(%arg23 : memref<!tpu.dma_semaphore, #tpu.memory_space<semaphore_mem>>)
    %add3A_50 = arith.constant 64 : i32
    %add3A_51 = arith.addi %mul3A_2, %add3A_50 : i32
    %dma_start3A_52 = arith.constant 64 : i32
    %dma_start3A_53 = arith.constant 0 : i32
    %dma_start3A_54 = tpu.memref_slice %arg10[%dma_start3A_52, %dma_start3A_53] : memref<128x768xf32, #tpu.memory_space<vmem>> -> memref<16x768xf32, #tpu.memory_space<vmem>>
    %dma_start3A_55 = arith.constant 0 : i32
    %dma_start3A_56 = tpu.memref_slice %arg2[%add3A_51, %dma_start3A_55] : memref<4096x768xf32, #tpu.memory_space<hbm>> -> memref<16x768xf32, #tpu.memory_space<hbm>>
    %dma_start3A_57 = arith.constant 64 : i32
    %dma_start3A_58 = arith.constant 0 : i32
    %dma_start3A_59 = tpu.memref_slice %arg10[%dma_start3A_57, %dma_start3A_58] : memref<128x768xf32, #tpu.memory_space<vmem>> -> memref<16x768xf32, #tpu.memory_space<vmem>>
    %dma_start3A_60 = arith.constant 0 : i32
    %dma_start3A_61 = tpu.memref_slice %arg2[%add3A_51, %dma_start3A_60] : memref<4096x768xf32, #tpu.memory_space<hbm>> -> memref<16x768xf32, #tpu.memory_space<hbm>>
    tpu.enqueue_dma source(%dma_start3A_61 : memref<16x768xf32, #tpu.memory_space<hbm>>) target(%dma_start3A_59 : memref<16x768xf32, #tpu.memory_space<vmem>>) target_semaphore(%arg23 : memref<!tpu.dma_semaphore, #tpu.memory_space<semaphore_mem>>)
    %add3A_62 = arith.constant 80 : i32
    %add3A_63 = arith.addi %mul3A_2, %add3A_62 : i32
    %dma_start3A_64 = arith.constant 80 : i32
    %dma_start3A_65 = arith.constant 0 : i32
    %dma_start3A_66 = tpu.memref_slice %arg10[%dma_start3A_64, %dma_start3A_65] : memref<128x768xf32, #tpu.memory_space<vmem>> -> memref<16x768xf32, #tpu.memory_space<vmem>>
    %dma_start3A_67 = arith.constant 0 : i32
    %dma_start3A_68 = tpu.memref_slice %arg2[%add3A_63, %dma_start3A_67] : memref<4096x768xf32, #tpu.memory_space<hbm>> -> memref<16x768xf32, #tpu.memory_space<hbm>>
    %dma_start3A_69 = arith.constant 80 : i32
    %dma_start3A_70 = arith.constant 0 : i32
    %dma_start3A_71 = tpu.memref_slice %arg10[%dma_start3A_69, %dma_start3A_70] : memref<128x768xf32, #tpu.memory_space<vmem>> -> memref<16x768xf32, #tpu.memory_space<vmem>>
    %dma_start3A_72 = arith.constant 0 : i32
    %dma_start3A_73 = tpu.memref_slice %arg2[%add3A_63, %dma_start3A_72] : memref<4096x768xf32, #tpu.memory_space<hbm>> -> memref<16x768xf32, #tpu.memory_space<hbm>>
    tpu.enqueue_dma source(%dma_start3A_73 : memref<16x768xf32, #tpu.memory_space<hbm>>) target(%dma_start3A_71 : memref<16x768xf32, #tpu.memory_space<vmem>>) target_semaphore(%arg23 : memref<!tpu.dma_semaphore, #tpu.memory_space<semaphore_mem>>)
    %add3A_74 = arith.constant 96 : i32
    %add3A_75 = arith.addi %mul3A_2, %add3A_74 : i32
    %dma_start3A_76 = arith.constant 96 : i32
    %dma_start3A_77 = arith.constant 0 : i32
    %dma_start3A_78 = tpu.memref_slice %arg10[%dma_start3A_76, %dma_start3A_77] : memref<128x768xf32, #tpu.memory_space<vmem>> -> memref<16x768xf32, #tpu.memory_space<vmem>>
    %dma_start3A_79 = arith.constant 0 : i32
    %dma_start3A_80 = tpu.memref_slice %arg2[%add3A_75, %dma_start3A_79] : memref<4096x768xf32, #tpu.memory_space<hbm>> -> memref<16x768xf32, #tpu.memory_space<hbm>>
    %dma_start3A_81 = arith.constant 96 : i32
    %dma_start3A_82 = arith.constant 0 : i32
    %dma_start3A_83 = tpu.memref_slice %arg10[%dma_start3A_81, %dma_start3A_82] : memref<128x768xf32, #tpu.memory_space<vmem>> -> memref<16x768xf32, #tpu.memory_space<vmem>>
    %dma_start3A_84 = arith.constant 0 : i32
    %dma_start3A_85 = tpu.memref_slice %arg2[%add3A_75, %dma_start3A_84] : memref<4096x768xf32, #tpu.memory_space<hbm>> -> memref<16x768xf32, #tpu.memory_space<hbm>>
    tpu.enqueue_dma source(%dma_start3A_85 : memref<16x768xf32, #tpu.memory_space<hbm>>) target(%dma_start3A_83 : memref<16x768xf32, #tpu.memory_space<vmem>>) target_semaphore(%arg23 : memref<!tpu.dma_semaphore, #tpu.memory_space<semaphore_mem>>)
    %add3A_86 = arith.constant 112 : i32
    %add3A_87 = arith.addi %mul3A_2, %add3A_86 : i32
    %dma_start3A_88 = arith.constant 112 : i32
    %dma_start3A_89 = arith.constant 0 : i32
    %dma_start3A_90 = tpu.memref_slice %arg10[%dma_start3A_88, %dma_start3A_89] : memref<128x768xf32, #tpu.memory_space<vmem>> -> memref<16x768xf32, #tpu.memory_space<vmem>>
    %dma_start3A_91 = arith.constant 0 : i32
    %dma_start3A_92 = tpu.memref_slice %arg2[%add3A_87, %dma_start3A_91] : memref<4096x768xf32, #tpu.memory_space<hbm>> -> memref<16x768xf32, #tpu.memory_space<hbm>>
    %dma_start3A_93 = arith.constant 112 : i32
    %dma_start3A_94 = arith.constant 0 : i32
    %dma_start3A_95 = tpu.memref_slice %arg10[%dma_start3A_93, %dma_start3A_94] : memref<128x768xf32, #tpu.memory_space<vmem>> -> memref<16x768xf32, #tpu.memory_space<vmem>>
    %dma_start3A_96 = arith.constant 0 : i32
    %dma_start3A_97 = tpu.memref_slice %arg2[%add3A_87, %dma_start3A_96] : memref<4096x768xf32, #tpu.memory_space<hbm>> -> memref<16x768xf32, #tpu.memory_space<hbm>>
    tpu.enqueue_dma source(%dma_start3A_97 : memref<16x768xf32, #tpu.memory_space<hbm>>) target(%dma_start3A_95 : memref<16x768xf32, #tpu.memory_space<vmem>>) target_semaphore(%arg23 : memref<!tpu.dma_semaphore, #tpu.memory_space<semaphore_mem>>)
    %dma_start3A_98 = tpu.memref_slice %arg4[%mul3A_2] : memref<4096xi32, #tpu.memory_space<hbm>> -> memref<128xi32, #tpu.memory_space<hbm>>
    %dma_start3A_99 = tpu.memref_slice %arg4[%mul3A_2] : memref<4096xi32, #tpu.memory_space<hbm>> -> memref<128xi32, #tpu.memory_space<hbm>>
    tpu.enqueue_dma source(%dma_start3A_99 : memref<128xi32, #tpu.memory_space<hbm>>) target(%arg12 : memref<128xi32, #tpu.memory_space<vmem>>) target_semaphore(%arg24 : memref<!tpu.dma_semaphore, #tpu.memory_space<semaphore_mem>>)
    %dma_start3A_100 = tpu.memref_slice %arg5[%mul3A_2] : memref<4096xi32, #tpu.memory_space<hbm>> -> memref<128xi32, #tpu.memory_space<hbm>>
    %dma_start3A_101 = tpu.memref_slice %arg5[%mul3A_2] : memref<4096xi32, #tpu.memory_space<hbm>> -> memref<128xi32, #tpu.memory_space<hbm>>
    tpu.enqueue_dma source(%dma_start3A_101 : memref<128xi32, #tpu.memory_space<hbm>>) target(%arg13 : memref<128xi32, #tpu.memory_space<vmem>>) target_semaphore(%arg24 : memref<!tpu.dma_semaphore, #tpu.memory_space<semaphore_mem>>)
    %dma_start3A_102 = tpu.memref_slice %arg3[%mul3A_2] : memref<4096xf32, #tpu.memory_space<hbm>> -> memref<128xf32, #tpu.memory_space<hbm>>
    %dma_start3A_103 = tpu.memref_slice %arg3[%mul3A_2] : memref<4096xf32, #tpu.memory_space<hbm>> -> memref<128xf32, #tpu.memory_space<hbm>>
    tpu.enqueue_dma source(%dma_start3A_103 : memref<128xf32, #tpu.memory_space<hbm>>) target(%arg11 : memref<128xf32, #tpu.memory_space<vmem>>) target_semaphore(%arg26 : memref<!tpu.dma_semaphore, #tpu.memory_space<semaphore_mem>>)
    %dma_wait3A = tpu.memref_slice %arg4[%mul3A_2] : memref<4096xi32, #tpu.memory_space<hbm>> -> memref<128xi32, #tpu.memory_space<hbm>>
    %dma_wait3A_104 = tpu.memref_slice %arg4[%mul3A_2] : memref<4096xi32, #tpu.memory_space<hbm>> -> memref<128xi32, #tpu.memory_space<hbm>>
    tpu.wait_dma2 semaphore(%arg24 : memref<!tpu.dma_semaphore, #tpu.memory_space<semaphore_mem>>) src(%dma_wait3A_104 : memref<128xi32, #tpu.memory_space<hbm>>) dst(%arg12 : memref<128xi32, #tpu.memory_space<vmem>>)
    %dma_start3A_105 = arith.constant 0 : i32
    %dma_start3A_106 = tpu.memref_slice %arg6[%dma_start3A_105] : memref<64xi32, #tpu.memory_space<hbm>> -> memref<64xi32, #tpu.memory_space<hbm>>
    tpu.enqueue_indirect_dma source(%dma_start3A_106 : memref<64xi32, #tpu.memory_space<hbm>>) target(%arg14 : memref<128xi32, #tpu.memory_space<vmem>>) offsets(%arg12 : memref<128xi32, #tpu.memory_space<vmem>>) semaphore(%arg24 : memref<!tpu.dma_semaphore, #tpu.memory_space<semaphore_mem>>)
    %dma_wait3A_107 = tpu.memref_slice %arg5[%mul3A_2] : memref<4096xi32, #tpu.memory_space<hbm>> -> memref<128xi32, #tpu.memory_space<hbm>>
    %dma_wait3A_108 = tpu.memref_slice %arg5[%mul3A_2] : memref<4096xi32, #tpu.memory_space<hbm>> -> memref<128xi32, #tpu.memory_space<hbm>>
    tpu.wait_dma2 semaphore(%arg24 : memref<!tpu.dma_semaphore, #tpu.memory_space<semaphore_mem>>) src(%dma_wait3A_108 : memref<128xi32, #tpu.memory_space<hbm>>) dst(%arg13 : memref<128xi32, #tpu.memory_space<vmem>>)
    %dma_wait3A_109 = arith.constant 0 : i32
    %dma_wait3A_110 = tpu.memref_slice %arg6[%dma_wait3A_109] : memref<64xi32, #tpu.memory_space<hbm>> -> memref<64xi32, #tpu.memory_space<hbm>>
    tpu.wait_indirect_dma semaphore(%arg24 : memref<!tpu.dma_semaphore, #tpu.memory_space<semaphore_mem>>) src(%dma_wait3A_110 : memref<64xi32, #tpu.memory_space<hbm>>) dst(%arg14 : memref<128xi32, #tpu.memory_space<vmem>>)
    %get3A = arith.constant 0 : index
    %get3A_111 = tpu.vector_load %arg14[%get3A] {strides = array<i32>} : memref<128xi32, #tpu.memory_space<vmem>>, vector<16xi32>,
    %get3A_112 = vector.shape_cast %get3A_111 : vector<16xi32> to vector<16xi32>
    %get3A_113 = arith.constant 0 : index
    %get3A_114 = tpu.vector_load %arg13[%get3A_113] {strides = array<i32>} : memref<128xi32, #tpu.memory_space<vmem>>, vector<16xi32>,
    %get3A_115 = vector.shape_cast %get3A_114 : vector<16xi32> to vector<16xi32>
    %add3A_116 = arith.addi %get3A_112, %get3A_115 : vector<16xi32>
    %swap3A = arith.constant 0 : index
    %swap3A_117 = tpu.vector_load %arg15[%swap3A] {strides = array<i32>} : memref<16xi32, #tpu.memory_space<vmem>>, vector<16xi32>,
    %swap3A_118 = vector.shape_cast %swap3A_117 : vector<16xi32> to vector<16xi32>
    %swap3A_119 = vector.shape_cast %add3A_116 : vector<16xi32> to vector<16xi32>
    tpu.vector_store %arg15[%swap3A], %swap3A_119 {strides = array<i32>} : memref<16xi32, #tpu.memory_space<vmem>>, vector<16xi32>,
    %get3A_120 = arith.constant 16 : index
    %get3A_121 = tpu.vector_load %arg14[%get3A_120] {strides = array<i32>} : memref<128xi32, #tpu.memory_space<vmem>>, vector<16xi32>,
    %get3A_122 = vector.shape_cast %get3A_121 : vector<16xi32> to vector<16xi32>
    %get3A_123 = arith.constant 16 : index
    %get3A_124 = tpu.vector_load %arg13[%get3A_123] {strides = array<i32>} : memref<128xi32, #tpu.memory_space<vmem>>, vector<16xi32>,
    %get3A_125 = vector.shape_cast %get3A_124 : vector<16xi32> to vector<16xi32>
    %add3A_126 = arith.addi %get3A_122, %get3A_125 : vector<16xi32>
    %swap3A_127 = arith.constant 0 : index
    %swap3A_128 = tpu.vector_load %arg16[%swap3A_127] {strides = array<i32>} : memref<16xi32, #tpu.memory_space<vmem>>, vector<16xi32>,
    %swap3A_129 = vector.shape_cast %swap3A_128 : vector<16xi32> to vector<16xi32>
    %swap3A_130 = vector.shape_cast %add3A_126 : vector<16xi32> to vector<16xi32>
    tpu.vector_store %arg16[%swap3A_127], %swap3A_130 {strides = array<i32>} : memref<16xi32, #tpu.memory_space<vmem>>, vector<16xi32>,
    %get3A_131 = arith.constant 32 : index
    %get3A_132 = tpu.vector_load %arg14[%get3A_131] {strides = array<i32>} : memref<128xi32, #tpu.memory_space<vmem>>, vector<16xi32>,
    %get3A_133 = vector.shape_cast %get3A_132 : vector<16xi32> to vector<16xi32>
    %get3A_134 = arith.constant 32 : index
    %get3A_135 = tpu.vector_load %arg13[%get3A_134] {strides = array<i32>} : memref<128xi32, #tpu.memory_space<vmem>>, vector<16xi32>,
    %get3A_136 = vector.shape_cast %get3A_135 : vector<16xi32> to vector<16xi32>
    %add3A_137 = arith.addi %get3A_133, %get3A_136 : vector<16xi32>
    %swap3A_138 = arith.constant 0 : index
    %swap3A_139 = tpu.vector_load %arg17[%swap3A_138] {strides = array<i32>} : memref<16xi32, #tpu.memory_space<vmem>>, vector<16xi32>,
    %swap3A_140 = vector.shape_cast %swap3A_139 : vector<16xi32> to vector<16xi32>
    %swap3A_141 = vector.shape_cast %add3A_137 : vector<16xi32> to vector<16xi32>
    tpu.vector_store %arg17[%swap3A_138], %swap3A_141 {strides = array<i32>} : memref<16xi32, #tpu.memory_space<vmem>>, vector<16xi32>,
    %get3A_142 = arith.constant 48 : index
    %get3A_143 = tpu.vector_load %arg14[%get3A_142] {strides = array<i32>} : memref<128xi32, #tpu.memory_space<vmem>>, vector<16xi32>,
    %get3A_144 = vector.shape_cast %get3A_143 : vector<16xi32> to vector<16xi32>
    %get3A_145 = arith.constant 48 : index
    %get3A_146 = tpu.vector_load %arg13[%get3A_145] {strides = array<i32>} : memref<128xi32, #tpu.memory_space<vmem>>, vector<16xi32>,
    %get3A_147 = vector.shape_cast %get3A_146 : vector<16xi32> to vector<16xi32>
    %add3A_148 = arith.addi %get3A_144, %get3A_147 : vector<16xi32>
    %swap3A_149 = arith.constant 0 : index
    %swap3A_150 = tpu.vector_load %arg18[%swap3A_149] {strides = array<i32>} : memref<16xi32, #tpu.memory_space<vmem>>, vector<16xi32>,
    %swap3A_151 = vector.shape_cast %swap3A_150 : vector<16xi32> to vector<16xi32>
    %swap3A_152 = vector.shape_cast %add3A_148 : vector<16xi32> to vector<16xi32>
    tpu.vector_store %arg18[%swap3A_149], %swap3A_152 {strides = array<i32>} : memref<16xi32, #tpu.memory_space<vmem>>, vector<16xi32>,
    %get3A_153 = arith.constant 64 : index
    %get3A_154 = tpu.vector_load %arg14[%get3A_153] {strides = array<i32>} : memref<128xi32, #tpu.memory_space<vmem>>, vector<16xi32>,
    %get3A_155 = vector.shape_cast %get3A_154 : vector<16xi32> to vector<16xi32>
    %get3A_156 = arith.constant 64 : index
    %get3A_157 = tpu.vector_load %arg13[%get3A_156] {strides = array<i32>} : memref<128xi32, #tpu.memory_space<vmem>>, vector<16xi32>,
    %get3A_158 = vector.shape_cast %get3A_157 : vector<16xi32> to vector<16xi32>
    %add3A_159 = arith.addi %get3A_155, %get3A_158 : vector<16xi32>
    %swap3A_160 = arith.constant 0 : index
    %swap3A_161 = tpu.vector_load %arg19[%swap3A_160] {strides = array<i32>} : memref<16xi32, #tpu.memory_space<vmem>>, vector<16xi32>,
    %swap3A_162 = vector.shape_cast %swap3A_161 : vector<16xi32> to vector<16xi32>
    %swap3A_163 = vector.shape_cast %add3A_159 : vector<16xi32> to vector<16xi32>
    tpu.vector_store %arg19[%swap3A_160], %swap3A_163 {strides = array<i32>} : memref<16xi32, #tpu.memory_space<vmem>>, vector<16xi32>,
    %get3A_164 = arith.constant 80 : index
    %get3A_165 = tpu.vector_load %arg14[%get3A_164] {strides = array<i32>} : memref<128xi32, #tpu.memory_space<vmem>>, vector<16xi32>,
    %get3A_166 = vector.shape_cast %get3A_165 : vector<16xi32> to vector<16xi32>
    %get3A_167 = arith.constant 80 : index
    %get3A_168 = tpu.vector_load %arg13[%get3A_167] {strides = array<i32>} : memref<128xi32, #tpu.memory_space<vmem>>, vector<16xi32>,
    %get3A_169 = vector.shape_cast %get3A_168 : vector<16xi32> to vector<16xi32>
    %add3A_170 = arith.addi %get3A_166, %get3A_169 : vector<16xi32>
    %swap3A_171 = arith.constant 0 : index
    %swap3A_172 = tpu.vector_load %arg20[%swap3A_171] {strides = array<i32>} : memref<16xi32, #tpu.memory_space<vmem>>, vector<16xi32>,
    %swap3A_173 = vector.shape_cast %swap3A_172 : vector<16xi32> to vector<16xi32>
    %swap3A_174 = vector.shape_cast %add3A_170 : vector<16xi32> to vector<16xi32>
    tpu.vector_store %arg20[%swap3A_171], %swap3A_174 {strides = array<i32>} : memref<16xi32, #tpu.memory_space<vmem>>, vector<16xi32>,
    %get3A_175 = arith.constant 96 : index
    %get3A_176 = tpu.vector_load %arg14[%get3A_175] {strides = array<i32>} : memref<128xi32, #tpu.memory_space<vmem>>, vector<16xi32>,
    %get3A_177 = vector.shape_cast %get3A_176 : vector<16xi32> to vector<16xi32>
    %get3A_178 = arith.constant 96 : index
    %get3A_179 = tpu.vector_load %arg13[%get3A_178] {strides = array<i32>} : memref<128xi32, #tpu.memory_space<vmem>>, vector<16xi32>,
    %get3A_180 = vector.shape_cast %get3A_179 : vector<16xi32> to vector<16xi32>
    %add3A_181 = arith.addi %get3A_177, %get3A_180 : vector<16xi32>
    %swap3A_182 = arith.constant 0 : index
    %swap3A_183 = tpu.vector_load %arg21[%swap3A_182] {strides = array<i32>} : memref<16xi32, #tpu.memory_space<vmem>>, vector<16xi32>,
    %swap3A_184 = vector.shape_cast %swap3A_183 : vector<16xi32> to vector<16xi32>
    %swap3A_185 = vector.shape_cast %add3A_181 : vector<16xi32> to vector<16xi32>
    tpu.vector_store %arg21[%swap3A_182], %swap3A_185 {strides = array<i32>} : memref<16xi32, #tpu.memory_space<vmem>>, vector<16xi32>,
    %get3A_186 = arith.constant 112 : index
    %get3A_187 = tpu.vector_load %arg14[%get3A_186] {strides = array<i32>} : memref<128xi32, #tpu.memory_space<vmem>>, vector<16xi32>,
    %get3A_188 = vector.shape_cast %get3A_187 : vector<16xi32> to vector<16xi32>
    %get3A_189 = arith.constant 112 : index
    %get3A_190 = tpu.vector_load %arg13[%get3A_189] {strides = array<i32>} : memref<128xi32, #tpu.memory_space<vmem>>, vector<16xi32>,
    %get3A_191 = vector.shape_cast %get3A_190 : vector<16xi32> to vector<16xi32>
    %add3A_192 = arith.addi %get3A_188, %get3A_191 : vector<16xi32>
    %swap3A_193 = arith.constant 0 : index
    %swap3A_194 = tpu.vector_load %arg22[%swap3A_193] {strides = array<i32>} : memref<16xi32, #tpu.memory_space<vmem>>, vector<16xi32>,
    %swap3A_195 = vector.shape_cast %swap3A_194 : vector<16xi32> to vector<16xi32>
    %swap3A_196 = vector.shape_cast %add3A_192 : vector<16xi32> to vector<16xi32>
    tpu.vector_store %arg22[%swap3A_193], %swap3A_196 {strides = array<i32>} : memref<16xi32, #tpu.memory_space<vmem>>, vector<16xi32>,
    %add3A_197 = arith.constant 0 : i32
    %add3A_198 = arith.addi %mul3A_2, %add3A_197 : i32
    %dma_start3A_199 = tpu.memref_slice %arg9[%add3A_198] : memref<4096xi32, #tpu.memory_space<hbm>> -> memref<16xi32, #tpu.memory_space<hbm>>
    %dma_start3A_200 = tpu.memref_slice %arg9[%add3A_198] : memref<4096xi32, #tpu.memory_space<hbm>> -> memref<16xi32, #tpu.memory_space<hbm>>
    tpu.enqueue_dma source(%arg15 : memref<16xi32, #tpu.memory_space<vmem>>) target(%dma_start3A_200 : memref<16xi32, #tpu.memory_space<hbm>>) target_semaphore(%arg27 : memref<!tpu.dma_semaphore, #tpu.memory_space<semaphore_mem>>)
    %add3A_201 = arith.constant 16 : i32
    %add3A_202 = arith.addi %mul3A_2, %add3A_201 : i32
    %dma_start3A_203 = tpu.memref_slice %arg9[%add3A_202] : memref<4096xi32, #tpu.memory_space<hbm>> -> memref<16xi32, #tpu.memory_space<hbm>>
    %dma_start3A_204 = tpu.memref_slice %arg9[%add3A_202] : memref<4096xi32, #tpu.memory_space<hbm>> -> memref<16xi32, #tpu.memory_space<hbm>>
    tpu.enqueue_dma source(%arg16 : memref<16xi32, #tpu.memory_space<vmem>>) target(%dma_start3A_204 : memref<16xi32, #tpu.memory_space<hbm>>) target_semaphore(%arg27 : memref<!tpu.dma_semaphore, #tpu.memory_space<semaphore_mem>>)
    %add3A_205 = arith.constant 32 : i32
    %add3A_206 = arith.addi %mul3A_2, %add3A_205 : i32
    %dma_start3A_207 = tpu.memref_slice %arg9[%add3A_206] : memref<4096xi32, #tpu.memory_space<hbm>> -> memref<16xi32, #tpu.memory_space<hbm>>
    %dma_start3A_208 = tpu.memref_slice %arg9[%add3A_206] : memref<4096xi32, #tpu.memory_space<hbm>> -> memref<16xi32, #tpu.memory_space<hbm>>
    tpu.enqueue_dma source(%arg17 : memref<16xi32, #tpu.memory_space<vmem>>) target(%dma_start3A_208 : memref<16xi32, #tpu.memory_space<hbm>>) target_semaphore(%arg27 : memref<!tpu.dma_semaphore, #tpu.memory_space<semaphore_mem>>)
    %add3A_209 = arith.constant 48 : i32
    %add3A_210 = arith.addi %mul3A_2, %add3A_209 : i32
    %dma_start3A_211 = tpu.memref_slice %arg9[%add3A_210] : memref<4096xi32, #tpu.memory_space<hbm>> -> memref<16xi32, #tpu.memory_space<hbm>>
    %dma_start3A_212 = tpu.memref_slice %arg9[%add3A_210] : memref<4096xi32, #tpu.memory_space<hbm>> -> memref<16xi32, #tpu.memory_space<hbm>>
    tpu.enqueue_dma source(%arg18 : memref<16xi32, #tpu.memory_space<vmem>>) target(%dma_start3A_212 : memref<16xi32, #tpu.memory_space<hbm>>) target_semaphore(%arg27 : memref<!tpu.dma_semaphore, #tpu.memory_space<semaphore_mem>>)
    %add3A_213 = arith.constant 64 : i32
    %add3A_214 = arith.addi %mul3A_2, %add3A_213 : i32
    %dma_start3A_215 = tpu.memref_slice %arg9[%add3A_214] : memref<4096xi32, #tpu.memory_space<hbm>> -> memref<16xi32, #tpu.memory_space<hbm>>
    %dma_start3A_216 = tpu.memref_slice %arg9[%add3A_214] : memref<4096xi32, #tpu.memory_space<hbm>> -> memref<16xi32, #tpu.memory_space<hbm>>
    tpu.enqueue_dma source(%arg19 : memref<16xi32, #tpu.memory_space<vmem>>) target(%dma_start3A_216 : memref<16xi32, #tpu.memory_space<hbm>>) target_semaphore(%arg27 : memref<!tpu.dma_semaphore, #tpu.memory_space<semaphore_mem>>)
    %add3A_217 = arith.constant 80 : i32
    %add3A_218 = arith.addi %mul3A_2, %add3A_217 : i32
    %dma_start3A_219 = tpu.memref_slice %arg9[%add3A_218] : memref<4096xi32, #tpu.memory_space<hbm>> -> memref<16xi32, #tpu.memory_space<hbm>>
    %dma_start3A_220 = tpu.memref_slice %arg9[%add3A_218] : memref<4096xi32, #tpu.memory_space<hbm>> -> memref<16xi32, #tpu.memory_space<hbm>>
    tpu.enqueue_dma source(%arg20 : memref<16xi32, #tpu.memory_space<vmem>>) target(%dma_start3A_220 : memref<16xi32, #tpu.memory_space<hbm>>) target_semaphore(%arg27 : memref<!tpu.dma_semaphore, #tpu.memory_space<semaphore_mem>>)
    %add3A_221 = arith.constant 96 : i32
    %add3A_222 = arith.addi %mul3A_2, %add3A_221 : i32
    %dma_start3A_223 = tpu.memref_slice %arg9[%add3A_222] : memref<4096xi32, #tpu.memory_space<hbm>> -> memref<16xi32, #tpu.memory_space<hbm>>
    %dma_start3A_224 = tpu.memref_slice %arg9[%add3A_222] : memref<4096xi32, #tpu.memory_space<hbm>> -> memref<16xi32, #tpu.memory_space<hbm>>
    tpu.enqueue_dma source(%arg21 : memref<16xi32, #tpu.memory_space<vmem>>) target(%dma_start3A_224 : memref<16xi32, #tpu.memory_space<hbm>>) target_semaphore(%arg27 : memref<!tpu.dma_semaphore, #tpu.memory_space<semaphore_mem>>)
    %add3A_225 = arith.constant 112 : i32
    %add3A_226 = arith.addi %mul3A_2, %add3A_225 : i32
    %dma_start3A_227 = tpu.memref_slice %arg9[%add3A_226] : memref<4096xi32, #tpu.memory_space<hbm>> -> memref<16xi32, #tpu.memory_space<hbm>>
    %dma_start3A_228 = tpu.memref_slice %arg9[%add3A_226] : memref<4096xi32, #tpu.memory_space<hbm>> -> memref<16xi32, #tpu.memory_space<hbm>>
    tpu.enqueue_dma source(%arg22 : memref<16xi32, #tpu.memory_space<vmem>>) target(%dma_start3A_228 : memref<16xi32, #tpu.memory_space<hbm>>) target_semaphore(%arg27 : memref<!tpu.dma_semaphore, #tpu.memory_space<semaphore_mem>>)
    %dma_wait3A_229 = tpu.memref_slice %arg3[%mul3A_2] : memref<4096xf32, #tpu.memory_space<hbm>> -> memref<128xf32, #tpu.memory_space<hbm>>
    %dma_wait3A_230 = tpu.memref_slice %arg3[%mul3A_2] : memref<4096xf32, #tpu.memory_space<hbm>> -> memref<128xf32, #tpu.memory_space<hbm>>
    tpu.wait_dma2 semaphore(%arg26 : memref<!tpu.dma_semaphore, #tpu.memory_space<semaphore_mem>>) src(%dma_wait3A_230 : memref<128xf32, #tpu.memory_space<hbm>>) dst(%arg11 : memref<128xf32, #tpu.memory_space<vmem>>)
    %dma_start3A_231 = arith.constant 0 : i32
    %dma_start3A_232 = tpu.memref_slice %arg11[%dma_start3A_231] : memref<128xf32, #tpu.memory_space<vmem>> -> memref<16xf32, #tpu.memory_space<vmem>>
    %dma_start3A_233 = arith.constant 0 : i32
    %dma_start3A_234 = tpu.memref_slice %arg8[%dma_start3A_233] : memref<12288xf32, #tpu.memory_space<hbm>> -> memref<12288xf32, #tpu.memory_space<hbm>>
    tpu.enqueue_indirect_dma source(%dma_start3A_232 : memref<16xf32, #tpu.memory_space<vmem>>) target(%dma_start3A_234 : memref<12288xf32, #tpu.memory_space<hbm>>) offsets(%arg15 : memref<16xi32, #tpu.memory_space<vmem>>) semaphore(%arg26 : memref<!tpu.dma_semaphore, #tpu.memory_space<semaphore_mem>>)
    %dma_wait3A_235 = arith.constant 0 : i32
    %dma_wait3A_236 = arith.constant 0 : i32
    %dma_wait3A_237 = tpu.memref_slice %arg10[%dma_wait3A_235, %dma_wait3A_236] : memref<128x768xf32, #tpu.memory_space<vmem>> -> memref<16x768xf32, #tpu.memory_space<vmem>>
    %dma_wait3A_238 = arith.constant 0 : i32
    %dma_wait3A_239 = tpu.memref_slice %arg2[%add3A_4, %dma_wait3A_238] : memref<4096x768xf32, #tpu.memory_space<hbm>> -> memref<16x768xf32, #tpu.memory_space<hbm>>
    %dma_wait3A_240 = arith.constant 0 : i32
    %dma_wait3A_241 = arith.constant 0 : i32
    %dma_wait3A_242 = tpu.memref_slice %arg10[%dma_wait3A_240, %dma_wait3A_241] : memref<128x768xf32, #tpu.memory_space<vmem>> -> memref<16x768xf32, #tpu.memory_space<vmem>>
    %dma_wait3A_243 = arith.constant 0 : i32
    %dma_wait3A_244 = tpu.memref_slice %arg2[%add3A_4, %dma_wait3A_243] : memref<4096x768xf32, #tpu.memory_space<hbm>> -> memref<16x768xf32, #tpu.memory_space<hbm>>
    tpu.wait_dma2 semaphore(%arg23 : memref<!tpu.dma_semaphore, #tpu.memory_space<semaphore_mem>>) src(%dma_wait3A_244 : memref<16x768xf32, #tpu.memory_space<hbm>>) dst(%dma_wait3A_242 : memref<16x768xf32, #tpu.memory_space<vmem>>)
    %dma_start3A_245 = arith.constant 0 : i32
    %dma_start3A_246 = arith.constant 0 : i32
    %dma_start3A_247 = tpu.memref_slice %arg10[%dma_start3A_245, %dma_start3A_246] : memref<128x768xf32, #tpu.memory_space<vmem>> -> memref<16x768xf32, #tpu.memory_space<vmem>>
    %dma_start3A_248 = arith.constant 0 : i32
    %dma_start3A_249 = arith.constant 0 : i32
    %dma_start3A_250 = tpu.memref_slice %arg7[%dma_start3A_248, %dma_start3A_249] : memref<12288x768xf32, #tpu.memory_space<hbm>> -> memref<12288x768xf32, #tpu.memory_space<hbm>>
    tpu.enqueue_indirect_dma source(%dma_start3A_247 : memref<16x768xf32, #tpu.memory_space<vmem>>) target(%dma_start3A_250 : memref<12288x768xf32, #tpu.memory_space<hbm>>) offsets(%arg15 : memref<16xi32, #tpu.memory_space<vmem>>) semaphore(%arg25 : memref<!tpu.dma_semaphore, #tpu.memory_space<semaphore_mem>>)
    %dma_start3A_251 = arith.constant 16 : i32
    %dma_start3A_252 = tpu.memref_slice %arg11[%dma_start3A_251] : memref<128xf32, #tpu.memory_space<vmem>> -> memref<16xf32, #tpu.memory_space<vmem>>
    %dma_start3A_253 = arith.constant 0 : i32
    %dma_start3A_254 = tpu.memref_slice %arg8[%dma_start3A_253] : memref<12288xf32, #tpu.memory_space<hbm>> -> memref<12288xf32, #tpu.memory_space<hbm>>
    tpu.enqueue_indirect_dma source(%dma_start3A_252 : memref<16xf32, #tpu.memory_space<vmem>>) target(%dma_start3A_254 : memref<12288xf32, #tpu.memory_space<hbm>>) offsets(%arg16 : memref<16xi32, #tpu.memory_space<vmem>>) semaphore(%arg26 : memref<!tpu.dma_semaphore, #tpu.memory_space<semaphore_mem>>)
    %dma_wait3A_255 = arith.constant 16 : i32
    %dma_wait3A_256 = arith.constant 0 : i32
    %dma_wait3A_257 = tpu.memref_slice %arg10[%dma_wait3A_255, %dma_wait3A_256] : memref<128x768xf32, #tpu.memory_space<vmem>> -> memref<16x768xf32, #tpu.memory_space<vmem>>
    %dma_wait3A_258 = arith.constant 0 : i32
    %dma_wait3A_259 = tpu.memref_slice %arg2[%add3A_15, %dma_wait3A_258] : memref<4096x768xf32, #tpu.memory_space<hbm>> -> memref<16x768xf32, #tpu.memory_space<hbm>>
    %dma_wait3A_260 = arith.constant 16 : i32
    %dma_wait3A_261 = arith.constant 0 : i32
    %dma_wait3A_262 = tpu.memref_slice %arg10[%dma_wait3A_260, %dma_wait3A_261] : memref<128x768xf32, #tpu.memory_space<vmem>> -> memref<16x768xf32, #tpu.memory_space<vmem>>
    %dma_wait3A_263 = arith.constant 0 : i32
    %dma_wait3A_264 = tpu.memref_slice %arg2[%add3A_15, %dma_wait3A_263] : memref<4096x768xf32, #tpu.memory_space<hbm>> -> memref<16x768xf32, #tpu.memory_space<hbm>>
    tpu.wait_dma2 semaphore(%arg23 : memref<!tpu.dma_semaphore, #tpu.memory_space<semaphore_mem>>) src(%dma_wait3A_264 : memref<16x768xf32, #tpu.memory_space<hbm>>) dst(%dma_wait3A_262 : memref<16x768xf32, #tpu.memory_space<vmem>>)
    %dma_start3A_265 = arith.constant 16 : i32
    %dma_start3A_266 = arith.constant 0 : i32
    %dma_start3A_267 = tpu.memref_slice %arg10[%dma_start3A_265, %dma_start3A_266] : memref<128x768xf32, #tpu.memory_space<vmem>> -> memref<16x768xf32, #tpu.memory_space<vmem>>
    %dma_start3A_268 = arith.constant 0 : i32
    %dma_start3A_269 = arith.constant 0 : i32
    %dma_start3A_270 = tpu.memref_slice %arg7[%dma_start3A_268, %dma_start3A_269] : memref<12288x768xf32, #tpu.memory_space<hbm>> -> memref<12288x768xf32, #tpu.memory_space<hbm>>
    tpu.enqueue_indirect_dma source(%dma_start3A_267 : memref<16x768xf32, #tpu.memory_space<vmem>>) target(%dma_start3A_270 : memref<12288x768xf32, #tpu.memory_space<hbm>>) offsets(%arg16 : memref<16xi32, #tpu.memory_space<vmem>>) semaphore(%arg25 : memref<!tpu.dma_semaphore, #tpu.memory_space<semaphore_mem>>)
    %dma_start3A_271 = arith.constant 32 : i32
    %dma_start3A_272 = tpu.memref_slice %arg11[%dma_start3A_271] : memref<128xf32, #tpu.memory_space<vmem>> -> memref<16xf32, #tpu.memory_space<vmem>>
    %dma_start3A_273 = arith.constant 0 : i32
    %dma_start3A_274 = tpu.memref_slice %arg8[%dma_start3A_273] : memref<12288xf32, #tpu.memory_space<hbm>> -> memref<12288xf32, #tpu.memory_space<hbm>>
    tpu.enqueue_indirect_dma source(%dma_start3A_272 : memref<16xf32, #tpu.memory_space<vmem>>) target(%dma_start3A_274 : memref<12288xf32, #tpu.memory_space<hbm>>) offsets(%arg17 : memref<16xi32, #tpu.memory_space<vmem>>) semaphore(%arg26 : memref<!tpu.dma_semaphore, #tpu.memory_space<semaphore_mem>>)
    %dma_wait3A_275 = arith.constant 32 : i32
    %dma_wait3A_276 = arith.constant 0 : i32
    %dma_wait3A_277 = tpu.memref_slice %arg10[%dma_wait3A_275, %dma_wait3A_276] : memref<128x768xf32, #tpu.memory_space<vmem>> -> memref<16x768xf32, #tpu.memory_space<vmem>>
    %dma_wait3A_278 = arith.constant 0 : i32
    %dma_wait3A_279 = tpu.memref_slice %arg2[%add3A_27, %dma_wait3A_278] : memref<4096x768xf32, #tpu.memory_space<hbm>> -> memref<16x768xf32, #tpu.memory_space<hbm>>
    %dma_wait3A_280 = arith.constant 32 : i32
    %dma_wait3A_281 = arith.constant 0 : i32
    %dma_wait3A_282 = tpu.memref_slice %arg10[%dma_wait3A_280, %dma_wait3A_281] : memref<128x768xf32, #tpu.memory_space<vmem>> -> memref<16x768xf32, #tpu.memory_space<vmem>>
    %dma_wait3A_283 = arith.constant 0 : i32
    %dma_wait3A_284 = tpu.memref_slice %arg2[%add3A_27, %dma_wait3A_283] : memref<4096x768xf32, #tpu.memory_space<hbm>> -> memref<16x768xf32, #tpu.memory_space<hbm>>
    tpu.wait_dma2 semaphore(%arg23 : memref<!tpu.dma_semaphore, #tpu.memory_space<semaphore_mem>>) src(%dma_wait3A_284 : memref<16x768xf32, #tpu.memory_space<hbm>>) dst(%dma_wait3A_282 : memref<16x768xf32, #tpu.memory_space<vmem>>)
    %dma_start3A_285 = arith.constant 32 : i32
    %dma_start3A_286 = arith.constant 0 : i32
    %dma_start3A_287 = tpu.memref_slice %arg10[%dma_start3A_285, %dma_start3A_286] : memref<128x768xf32, #tpu.memory_space<vmem>> -> memref<16x768xf32, #tpu.memory_space<vmem>>
    %dma_start3A_288 = arith.constant 0 : i32
    %dma_start3A_289 = arith.constant 0 : i32
    %dma_start3A_290 = tpu.memref_slice %arg7[%dma_start3A_288, %dma_start3A_289] : memref<12288x768xf32, #tpu.memory_space<hbm>> -> memref<12288x768xf32, #tpu.memory_space<hbm>>
    tpu.enqueue_indirect_dma source(%dma_start3A_287 : memref<16x768xf32, #tpu.memory_space<vmem>>) target(%dma_start3A_290 : memref<12288x768xf32, #tpu.memory_space<hbm>>) offsets(%arg17 : memref<16xi32, #tpu.memory_space<vmem>>) semaphore(%arg25 : memref<!tpu.dma_semaphore, #tpu.memory_space<semaphore_mem>>)
    %dma_start3A_291 = arith.constant 48 : i32
    %dma_start3A_292 = tpu.memref_slice %arg11[%dma_start3A_291] : memref<128xf32, #tpu.memory_space<vmem>> -> memref<16xf32, #tpu.memory_space<vmem>>
    %dma_start3A_293 = arith.constant 0 : i32
    %dma_start3A_294 = tpu.memref_slice %arg8[%dma_start3A_293] : memref<12288xf32, #tpu.memory_space<hbm>> -> memref<12288xf32, #tpu.memory_space<hbm>>
    tpu.enqueue_indirect_dma source(%dma_start3A_292 : memref<16xf32, #tpu.memory_space<vmem>>) target(%dma_start3A_294 : memref<12288xf32, #tpu.memory_space<hbm>>) offsets(%arg18 : memref<16xi32, #tpu.memory_space<vmem>>) semaphore(%arg26 : memref<!tpu.dma_semaphore, #tpu.memory_space<semaphore_mem>>)
    %dma_wait3A_295 = arith.constant 48 : i32
    %dma_wait3A_296 = arith.constant 0 : i32
    %dma_wait3A_297 = tpu.memref_slice %arg10[%dma_wait3A_295, %dma_wait3A_296] : memref<128x768xf32, #tpu.memory_space<vmem>> -> memref<16x768xf32, #tpu.memory_space<vmem>>
    %dma_wait3A_298 = arith.constant 0 : i32
    %dma_wait3A_299 = tpu.memref_slice %arg2[%add3A_39, %dma_wait3A_298] : memref<4096x768xf32, #tpu.memory_space<hbm>> -> memref<16x768xf32, #tpu.memory_space<hbm>>
    %dma_wait3A_300 = arith.constant 48 : i32
    %dma_wait3A_301 = arith.constant 0 : i32
    %dma_wait3A_302 = tpu.memref_slice %arg10[%dma_wait3A_300, %dma_wait3A_301] : memref<128x768xf32, #tpu.memory_space<vmem>> -> memref<16x768xf32, #tpu.memory_space<vmem>>
    %dma_wait3A_303 = arith.constant 0 : i32
    %dma_wait3A_304 = tpu.memref_slice %arg2[%add3A_39, %dma_wait3A_303] : memref<4096x768xf32, #tpu.memory_space<hbm>> -> memref<16x768xf32, #tpu.memory_space<hbm>>
    tpu.wait_dma2 semaphore(%arg23 : memref<!tpu.dma_semaphore, #tpu.memory_space<semaphore_mem>>) src(%dma_wait3A_304 : memref<16x768xf32, #tpu.memory_space<hbm>>) dst(%dma_wait3A_302 : memref<16x768xf32, #tpu.memory_space<vmem>>)
    %dma_start3A_305 = arith.constant 48 : i32
    %dma_start3A_306 = arith.constant 0 : i32
    %dma_start3A_307 = tpu.memref_slice %arg10[%dma_start3A_305, %dma_start3A_306] : memref<128x768xf32, #tpu.memory_space<vmem>> -> memref<16x768xf32, #tpu.memory_space<vmem>>
    %dma_start3A_308 = arith.constant 0 : i32
    %dma_start3A_309 = arith.constant 0 : i32
    %dma_start3A_310 = tpu.memref_slice %arg7[%dma_start3A_308, %dma_start3A_309] : memref<12288x768xf32, #tpu.memory_space<hbm>> -> memref<12288x768xf32, #tpu.memory_space<hbm>>
    tpu.enqueue_indirect_dma source(%dma_start3A_307 : memref<16x768xf32, #tpu.memory_space<vmem>>) target(%dma_start3A_310 : memref<12288x768xf32, #tpu.memory_space<hbm>>) offsets(%arg18 : memref<16xi32, #tpu.memory_space<vmem>>) semaphore(%arg25 : memref<!tpu.dma_semaphore, #tpu.memory_space<semaphore_mem>>)
    %dma_start3A_311 = arith.constant 64 : i32
    %dma_start3A_312 = tpu.memref_slice %arg11[%dma_start3A_311] : memref<128xf32, #tpu.memory_space<vmem>> -> memref<16xf32, #tpu.memory_space<vmem>>
    %dma_start3A_313 = arith.constant 0 : i32
    %dma_start3A_314 = tpu.memref_slice %arg8[%dma_start3A_313] : memref<12288xf32, #tpu.memory_space<hbm>> -> memref<12288xf32, #tpu.memory_space<hbm>>
    tpu.enqueue_indirect_dma source(%dma_start3A_312 : memref<16xf32, #tpu.memory_space<vmem>>) target(%dma_start3A_314 : memref<12288xf32, #tpu.memory_space<hbm>>) offsets(%arg19 : memref<16xi32, #tpu.memory_space<vmem>>) semaphore(%arg26 : memref<!tpu.dma_semaphore, #tpu.memory_space<semaphore_mem>>)
    %dma_wait3A_315 = arith.constant 64 : i32
    %dma_wait3A_316 = arith.constant 0 : i32
    %dma_wait3A_317 = tpu.memref_slice %arg10[%dma_wait3A_315, %dma_wait3A_316] : memref<128x768xf32, #tpu.memory_space<vmem>> -> memref<16x768xf32, #tpu.memory_space<vmem>>
    %dma_wait3A_318 = arith.constant 0 : i32
    %dma_wait3A_319 = tpu.memref_slice %arg2[%add3A_51, %dma_wait3A_318] : memref<4096x768xf32, #tpu.memory_space<hbm>> -> memref<16x768xf32, #tpu.memory_space<hbm>>
    %dma_wait3A_320 = arith.constant 64 : i32
    %dma_wait3A_321 = arith.constant 0 : i32
    %dma_wait3A_322 = tpu.memref_slice %arg10[%dma_wait3A_320, %dma_wait3A_321] : memref<128x768xf32, #tpu.memory_space<vmem>> -> memref<16x768xf32, #tpu.memory_space<vmem>>
    %dma_wait3A_323 = arith.constant 0 : i32
    %dma_wait3A_324 = tpu.memref_slice %arg2[%add3A_51, %dma_wait3A_323] : memref<4096x768xf32, #tpu.memory_space<hbm>> -> memref<16x768xf32, #tpu.memory_space<hbm>>
    tpu.wait_dma2 semaphore(%arg23 : memref<!tpu.dma_semaphore, #tpu.memory_space<semaphore_mem>>) src(%dma_wait3A_324 : memref<16x768xf32, #tpu.memory_space<hbm>>) dst(%dma_wait3A_322 : memref<16x768xf32, #tpu.memory_space<vmem>>)
    %dma_start3A_325 = arith.constant 64 : i32
    %dma_start3A_326 = arith.constant 0 : i32
    %dma_start3A_327 = tpu.memref_slice %arg10[%dma_start3A_325, %dma_start3A_326] : memref<128x768xf32, #tpu.memory_space<vmem>> -> memref<16x768xf32, #tpu.memory_space<vmem>>
    %dma_start3A_328 = arith.constant 0 : i32
    %dma_start3A_329 = arith.constant 0 : i32
    %dma_start3A_330 = tpu.memref_slice %arg7[%dma_start3A_328, %dma_start3A_329] : memref<12288x768xf32, #tpu.memory_space<hbm>> -> memref<12288x768xf32, #tpu.memory_space<hbm>>
    tpu.enqueue_indirect_dma source(%dma_start3A_327 : memref<16x768xf32, #tpu.memory_space<vmem>>) target(%dma_start3A_330 : memref<12288x768xf32, #tpu.memory_space<hbm>>) offsets(%arg19 : memref<16xi32, #tpu.memory_space<vmem>>) semaphore(%arg25 : memref<!tpu.dma_semaphore, #tpu.memory_space<semaphore_mem>>)
    %dma_start3A_331 = arith.constant 80 : i32
    %dma_start3A_332 = tpu.memref_slice %arg11[%dma_start3A_331] : memref<128xf32, #tpu.memory_space<vmem>> -> memref<16xf32, #tpu.memory_space<vmem>>
    %dma_start3A_333 = arith.constant 0 : i32
    %dma_start3A_334 = tpu.memref_slice %arg8[%dma_start3A_333] : memref<12288xf32, #tpu.memory_space<hbm>> -> memref<12288xf32, #tpu.memory_space<hbm>>
    tpu.enqueue_indirect_dma source(%dma_start3A_332 : memref<16xf32, #tpu.memory_space<vmem>>) target(%dma_start3A_334 : memref<12288xf32, #tpu.memory_space<hbm>>) offsets(%arg20 : memref<16xi32, #tpu.memory_space<vmem>>) semaphore(%arg26 : memref<!tpu.dma_semaphore, #tpu.memory_space<semaphore_mem>>)
    %dma_wait3A_335 = arith.constant 80 : i32
    %dma_wait3A_336 = arith.constant 0 : i32
    %dma_wait3A_337 = tpu.memref_slice %arg10[%dma_wait3A_335, %dma_wait3A_336] : memref<128x768xf32, #tpu.memory_space<vmem>> -> memref<16x768xf32, #tpu.memory_space<vmem>>
    %dma_wait3A_338 = arith.constant 0 : i32
    %dma_wait3A_339 = tpu.memref_slice %arg2[%add3A_63, %dma_wait3A_338] : memref<4096x768xf32, #tpu.memory_space<hbm>> -> memref<16x768xf32, #tpu.memory_space<hbm>>
    %dma_wait3A_340 = arith.constant 80 : i32
    %dma_wait3A_341 = arith.constant 0 : i32
    %dma_wait3A_342 = tpu.memref_slice %arg10[%dma_wait3A_340, %dma_wait3A_341] : memref<128x768xf32, #tpu.memory_space<vmem>> -> memref<16x768xf32, #tpu.memory_space<vmem>>
    %dma_wait3A_343 = arith.constant 0 : i32
    %dma_wait3A_344 = tpu.memref_slice %arg2[%add3A_63, %dma_wait3A_343] : memref<4096x768xf32, #tpu.memory_space<hbm>> -> memref<16x768xf32, #tpu.memory_space<hbm>>
    tpu.wait_dma2 semaphore(%arg23 : memref<!tpu.dma_semaphore, #tpu.memory_space<semaphore_mem>>) src(%dma_wait3A_344 : memref<16x768xf32, #tpu.memory_space<hbm>>) dst(%dma_wait3A_342 : memref<16x768xf32, #tpu.memory_space<vmem>>)
    %dma_start3A_345 = arith.constant 80 : i32
    %dma_start3A_346 = arith.constant 0 : i32
    %dma_start3A_347 = tpu.memref_slice %arg10[%dma_start3A_345, %dma_start3A_346] : memref<128x768xf32, #tpu.memory_space<vmem>> -> memref<16x768xf32, #tpu.memory_space<vmem>>
    %dma_start3A_348 = arith.constant 0 : i32
    %dma_start3A_349 = arith.constant 0 : i32
    %dma_start3A_350 = tpu.memref_slice %arg7[%dma_start3A_348, %dma_start3A_349] : memref<12288x768xf32, #tpu.memory_space<hbm>> -> memref<12288x768xf32, #tpu.memory_space<hbm>>
    tpu.enqueue_indirect_dma source(%dma_start3A_347 : memref<16x768xf32, #tpu.memory_space<vmem>>) target(%dma_start3A_350 : memref<12288x768xf32, #tpu.memory_space<hbm>>) offsets(%arg20 : memref<16xi32, #tpu.memory_space<vmem>>) semaphore(%arg25 : memref<!tpu.dma_semaphore, #tpu.memory_space<semaphore_mem>>)
    %dma_start3A_351 = arith.constant 96 : i32
    %dma_start3A_352 = tpu.memref_slice %arg11[%dma_start3A_351] : memref<128xf32, #tpu.memory_space<vmem>> -> memref<16xf32, #tpu.memory_space<vmem>>
    %dma_start3A_353 = arith.constant 0 : i32
    %dma_start3A_354 = tpu.memref_slice %arg8[%dma_start3A_353] : memref<12288xf32, #tpu.memory_space<hbm>> -> memref<12288xf32, #tpu.memory_space<hbm>>
    tpu.enqueue_indirect_dma source(%dma_start3A_352 : memref<16xf32, #tpu.memory_space<vmem>>) target(%dma_start3A_354 : memref<12288xf32, #tpu.memory_space<hbm>>) offsets(%arg21 : memref<16xi32, #tpu.memory_space<vmem>>) semaphore(%arg26 : memref<!tpu.dma_semaphore, #tpu.memory_space<semaphore_mem>>)
    %dma_wait3A_355 = arith.constant 96 : i32
    %dma_wait3A_356 = arith.constant 0 : i32
    %dma_wait3A_357 = tpu.memref_slice %arg10[%dma_wait3A_355, %dma_wait3A_356] : memref<128x768xf32, #tpu.memory_space<vmem>> -> memref<16x768xf32, #tpu.memory_space<vmem>>
    %dma_wait3A_358 = arith.constant 0 : i32
    %dma_wait3A_359 = tpu.memref_slice %arg2[%add3A_75, %dma_wait3A_358] : memref<4096x768xf32, #tpu.memory_space<hbm>> -> memref<16x768xf32, #tpu.memory_space<hbm>>
    %dma_wait3A_360 = arith.constant 96 : i32
    %dma_wait3A_361 = arith.constant 0 : i32
    %dma_wait3A_362 = tpu.memref_slice %arg10[%dma_wait3A_360, %dma_wait3A_361] : memref<128x768xf32, #tpu.memory_space<vmem>> -> memref<16x768xf32, #tpu.memory_space<vmem>>
    %dma_wait3A_363 = arith.constant 0 : i32
    %dma_wait3A_364 = tpu.memref_slice %arg2[%add3A_75, %dma_wait3A_363] : memref<4096x768xf32, #tpu.memory_space<hbm>> -> memref<16x768xf32, #tpu.memory_space<hbm>>
    tpu.wait_dma2 semaphore(%arg23 : memref<!tpu.dma_semaphore, #tpu.memory_space<semaphore_mem>>) src(%dma_wait3A_364 : memref<16x768xf32, #tpu.memory_space<hbm>>) dst(%dma_wait3A_362 : memref<16x768xf32, #tpu.memory_space<vmem>>)
    %dma_start3A_365 = arith.constant 96 : i32
    %dma_start3A_366 = arith.constant 0 : i32
    %dma_start3A_367 = tpu.memref_slice %arg10[%dma_start3A_365, %dma_start3A_366] : memref<128x768xf32, #tpu.memory_space<vmem>> -> memref<16x768xf32, #tpu.memory_space<vmem>>
    %dma_start3A_368 = arith.constant 0 : i32
    %dma_start3A_369 = arith.constant 0 : i32
    %dma_start3A_370 = tpu.memref_slice %arg7[%dma_start3A_368, %dma_start3A_369] : memref<12288x768xf32, #tpu.memory_space<hbm>> -> memref<12288x768xf32, #tpu.memory_space<hbm>>
    tpu.enqueue_indirect_dma source(%dma_start3A_367 : memref<16x768xf32, #tpu.memory_space<vmem>>) target(%dma_start3A_370 : memref<12288x768xf32, #tpu.memory_space<hbm>>) offsets(%arg21 : memref<16xi32, #tpu.memory_space<vmem>>) semaphore(%arg25 : memref<!tpu.dma_semaphore, #tpu.memory_space<semaphore_mem>>)
    %dma_start3A_371 = arith.constant 112 : i32
    %dma_start3A_372 = tpu.memref_slice %arg11[%dma_start3A_371] : memref<128xf32, #tpu.memory_space<vmem>> -> memref<16xf32, #tpu.memory_space<vmem>>
    %dma_start3A_373 = arith.constant 0 : i32
    %dma_start3A_374 = tpu.memref_slice %arg8[%dma_start3A_373] : memref<12288xf32, #tpu.memory_space<hbm>> -> memref<12288xf32, #tpu.memory_space<hbm>>
    tpu.enqueue_indirect_dma source(%dma_start3A_372 : memref<16xf32, #tpu.memory_space<vmem>>) target(%dma_start3A_374 : memref<12288xf32, #tpu.memory_space<hbm>>) offsets(%arg22 : memref<16xi32, #tpu.memory_space<vmem>>) semaphore(%arg26 : memref<!tpu.dma_semaphore, #tpu.memory_space<semaphore_mem>>)
    %dma_wait3A_375 = arith.constant 112 : i32
    %dma_wait3A_376 = arith.constant 0 : i32
    %dma_wait3A_377 = tpu.memref_slice %arg10[%dma_wait3A_375, %dma_wait3A_376] : memref<128x768xf32, #tpu.memory_space<vmem>> -> memref<16x768xf32, #tpu.memory_space<vmem>>
    %dma_wait3A_378 = arith.constant 0 : i32
    %dma_wait3A_379 = tpu.memref_slice %arg2[%add3A_87, %dma_wait3A_378] : memref<4096x768xf32, #tpu.memory_space<hbm>> -> memref<16x768xf32, #tpu.memory_space<hbm>>
    %dma_wait3A_380 = arith.constant 112 : i32
    %dma_wait3A_381 = arith.constant 0 : i32
    %dma_wait3A_382 = tpu.memref_slice %arg10[%dma_wait3A_380, %dma_wait3A_381] : memref<128x768xf32, #tpu.memory_space<vmem>> -> memref<16x768xf32, #tpu.memory_space<vmem>>
    %dma_wait3A_383 = arith.constant 0 : i32
    %dma_wait3A_384 = tpu.memref_slice %arg2[%add3A_87, %dma_wait3A_383] : memref<4096x768xf32, #tpu.memory_space<hbm>> -> memref<16x768xf32, #tpu.memory_space<hbm>>
    tpu.wait_dma2 semaphore(%arg23 : memref<!tpu.dma_semaphore, #tpu.memory_space<semaphore_mem>>) src(%dma_wait3A_384 : memref<16x768xf32, #tpu.memory_space<hbm>>) dst(%dma_wait3A_382 : memref<16x768xf32, #tpu.memory_space<vmem>>)
    %dma_start3A_385 = arith.constant 112 : i32
    %dma_start3A_386 = arith.constant 0 : i32
    %dma_start3A_387 = tpu.memref_slice %arg10[%dma_start3A_385, %dma_start3A_386] : memref<128x768xf32, #tpu.memory_space<vmem>> -> memref<16x768xf32, #tpu.memory_space<vmem>>
    %dma_start3A_388 = arith.constant 0 : i32
    %dma_start3A_389 = arith.constant 0 : i32
    %dma_start3A_390 = tpu.memref_slice %arg7[%dma_start3A_388, %dma_start3A_389] : memref<12288x768xf32, #tpu.memory_space<hbm>> -> memref<12288x768xf32, #tpu.memory_space<hbm>>
    tpu.enqueue_indirect_dma source(%dma_start3A_387 : memref<16x768xf32, #tpu.memory_space<vmem>>) target(%dma_start3A_390 : memref<12288x768xf32, #tpu.memory_space<hbm>>) offsets(%arg22 : memref<16xi32, #tpu.memory_space<vmem>>) semaphore(%arg25 : memref<!tpu.dma_semaphore, #tpu.memory_space<semaphore_mem>>)
    %dma_wait3A_391 = tpu.memref_slice %arg9[%add3A_198] : memref<4096xi32, #tpu.memory_space<hbm>> -> memref<16xi32, #tpu.memory_space<hbm>>
    %dma_wait3A_392 = tpu.memref_slice %arg9[%add3A_198] : memref<4096xi32, #tpu.memory_space<hbm>> -> memref<16xi32, #tpu.memory_space<hbm>>
    tpu.wait_dma2 semaphore(%arg27 : memref<!tpu.dma_semaphore, #tpu.memory_space<semaphore_mem>>) src(%arg15 : memref<16xi32, #tpu.memory_space<vmem>>) dst(%dma_wait3A_392 : memref<16xi32, #tpu.memory_space<hbm>>)
    %dma_wait3A_393 = tpu.memref_slice %arg9[%add3A_202] : memref<4096xi32, #tpu.memory_space<hbm>> -> memref<16xi32, #tpu.memory_space<hbm>>
    %dma_wait3A_394 = tpu.memref_slice %arg9[%add3A_202] : memref<4096xi32, #tpu.memory_space<hbm>> -> memref<16xi32, #tpu.memory_space<hbm>>
    tpu.wait_dma2 semaphore(%arg27 : memref<!tpu.dma_semaphore, #tpu.memory_space<semaphore_mem>>) src(%arg16 : memref<16xi32, #tpu.memory_space<vmem>>) dst(%dma_wait3A_394 : memref<16xi32, #tpu.memory_space<hbm>>)
    %dma_wait3A_395 = tpu.memref_slice %arg9[%add3A_206] : memref<4096xi32, #tpu.memory_space<hbm>> -> memref<16xi32, #tpu.memory_space<hbm>>
    %dma_wait3A_396 = tpu.memref_slice %arg9[%add3A_206] : memref<4096xi32, #tpu.memory_space<hbm>> -> memref<16xi32, #tpu.memory_space<hbm>>
    tpu.wait_dma2 semaphore(%arg27 : memref<!tpu.dma_semaphore, #tpu.memory_space<semaphore_mem>>) src(%arg17 : memref<16xi32, #tpu.memory_space<vmem>>) dst(%dma_wait3A_396 : memref<16xi32, #tpu.memory_space<hbm>>)
    %dma_wait3A_397 = tpu.memref_slice %arg9[%add3A_210] : memref<4096xi32, #tpu.memory_space<hbm>> -> memref<16xi32, #tpu.memory_space<hbm>>
    %dma_wait3A_398 = tpu.memref_slice %arg9[%add3A_210] : memref<4096xi32, #tpu.memory_space<hbm>> -> memref<16xi32, #tpu.memory_space<hbm>>
    tpu.wait_dma2 semaphore(%arg27 : memref<!tpu.dma_semaphore, #tpu.memory_space<semaphore_mem>>) src(%arg18 : memref<16xi32, #tpu.memory_space<vmem>>) dst(%dma_wait3A_398 : memref<16xi32, #tpu.memory_space<hbm>>)
    %dma_wait3A_399 = tpu.memref_slice %arg9[%add3A_214] : memref<4096xi32, #tpu.memory_space<hbm>> -> memref<16xi32, #tpu.memory_space<hbm>>
    %dma_wait3A_400 = tpu.memref_slice %arg9[%add3A_214] : memref<4096xi32, #tpu.memory_space<hbm>> -> memref<16xi32, #tpu.memory_space<hbm>>
    tpu.wait_dma2 semaphore(%arg27 : memref<!tpu.dma_semaphore, #tpu.memory_space<semaphore_mem>>) src(%arg19 : memref<16xi32, #tpu.memory_space<vmem>>) dst(%dma_wait3A_400 : memref<16xi32, #tpu.memory_space<hbm>>)
    %dma_wait3A_401 = tpu.memref_slice %arg9[%add3A_218] : memref<4096xi32, #tpu.memory_space<hbm>> -> memref<16xi32, #tpu.memory_space<hbm>>
    %dma_wait3A_402 = tpu.memref_slice %arg9[%add3A_218] : memref<4096xi32, #tpu.memory_space<hbm>> -> memref<16xi32, #tpu.memory_space<hbm>>
    tpu.wait_dma2 semaphore(%arg27 : memref<!tpu.dma_semaphore, #tpu.memory_space<semaphore_mem>>) src(%arg20 : memref<16xi32, #tpu.memory_space<vmem>>) dst(%dma_wait3A_402 : memref<16xi32, #tpu.memory_space<hbm>>)
    %dma_wait3A_403 = tpu.memref_slice %arg9[%add3A_222] : memref<4096xi32, #tpu.memory_space<hbm>> -> memref<16xi32, #tpu.memory_space<hbm>>
    %dma_wait3A_404 = tpu.memref_slice %arg9[%add3A_222] : memref<4096xi32, #tpu.memory_space<hbm>> -> memref<16xi32, #tpu.memory_space<hbm>>
    tpu.wait_dma2 semaphore(%arg27 : memref<!tpu.dma_semaphore, #tpu.memory_space<semaphore_mem>>) src(%arg21 : memref<16xi32, #tpu.memory_space<vmem>>) dst(%dma_wait3A_404 : memref<16xi32, #tpu.memory_space<hbm>>)
    %dma_wait3A_405 = tpu.memref_slice %arg9[%add3A_226] : memref<4096xi32, #tpu.memory_space<hbm>> -> memref<16xi32, #tpu.memory_space<hbm>>
    %dma_wait3A_406 = tpu.memref_slice %arg9[%add3A_226] : memref<4096xi32, #tpu.memory_space<hbm>> -> memref<16xi32, #tpu.memory_space<hbm>>
    tpu.wait_dma2 semaphore(%arg27 : memref<!tpu.dma_semaphore, #tpu.memory_space<semaphore_mem>>) src(%arg22 : memref<16xi32, #tpu.memory_space<vmem>>) dst(%dma_wait3A_406 : memref<16xi32, #tpu.memory_space<hbm>>)
    %dma_wait3A_407 = arith.constant 0 : i32
    %dma_wait3A_408 = tpu.memref_slice %arg11[%dma_wait3A_407] : memref<128xf32, #tpu.memory_space<vmem>> -> memref<16xf32, #tpu.memory_space<vmem>>
    %dma_wait3A_409 = arith.constant 0 : i32
    %dma_wait3A_410 = tpu.memref_slice %arg8[%dma_wait3A_409] : memref<12288xf32, #tpu.memory_space<hbm>> -> memref<12288xf32, #tpu.memory_space<hbm>>
    tpu.wait_indirect_dma semaphore(%arg26 : memref<!tpu.dma_semaphore, #tpu.memory_space<semaphore_mem>>) src(%dma_wait3A_408 : memref<16xf32, #tpu.memory_space<vmem>>) dst(%dma_wait3A_410 : memref<12288xf32, #tpu.memory_space<hbm>>)
    %dma_wait3A_411 = arith.constant 0 : i32
    %dma_wait3A_412 = arith.constant 0 : i32
    %dma_wait3A_413 = tpu.memref_slice %arg10[%dma_wait3A_411, %dma_wait3A_412] : memref<128x768xf32, #tpu.memory_space<vmem>> -> memref<16x768xf32, #tpu.memory_space<vmem>>
    %dma_wait3A_414 = arith.constant 0 : i32
    %dma_wait3A_415 = arith.constant 0 : i32
    %dma_wait3A_416 = tpu.memref_slice %arg7[%dma_wait3A_414, %dma_wait3A_415] : memref<12288x768xf32, #tpu.memory_space<hbm>> -> memref<12288x768xf32, #tpu.memory_space<hbm>>
    tpu.wait_indirect_dma semaphore(%arg25 : memref<!tpu.dma_semaphore, #tpu.memory_space<semaphore_mem>>) src(%dma_wait3A_413 : memref<16x768xf32, #tpu.memory_space<vmem>>) dst(%dma_wait3A_416 : memref<12288x768xf32, #tpu.memory_space<hbm>>)
    %dma_wait3A_417 = arith.constant 16 : i32
    %dma_wait3A_418 = tpu.memref_slice %arg11[%dma_wait3A_417] : memref<128xf32, #tpu.memory_space<vmem>> -> memref<16xf32, #tpu.memory_space<vmem>>
    %dma_wait3A_419 = arith.constant 0 : i32
    %dma_wait3A_420 = tpu.memref_slice %arg8[%dma_wait3A_419] : memref<12288xf32, #tpu.memory_space<hbm>> -> memref<12288xf32, #tpu.memory_space<hbm>>
    tpu.wait_indirect_dma semaphore(%arg26 : memref<!tpu.dma_semaphore, #tpu.memory_space<semaphore_mem>>) src(%dma_wait3A_418 : memref<16xf32, #tpu.memory_space<vmem>>) dst(%dma_wait3A_420 : memref<12288xf32, #tpu.memory_space<hbm>>)
    %dma_wait3A_421 = arith.constant 16 : i32
    %dma_wait3A_422 = arith.constant 0 : i32
    %dma_wait3A_423 = tpu.memref_slice %arg10[%dma_wait3A_421, %dma_wait3A_422] : memref<128x768xf32, #tpu.memory_space<vmem>> -> memref<16x768xf32, #tpu.memory_space<vmem>>
    %dma_wait3A_424 = arith.constant 0 : i32
    %dma_wait3A_425 = arith.constant 0 : i32
    %dma_wait3A_426 = tpu.memref_slice %arg7[%dma_wait3A_424, %dma_wait3A_425] : memref<12288x768xf32, #tpu.memory_space<hbm>> -> memref<12288x768xf32, #tpu.memory_space<hbm>>
    tpu.wait_indirect_dma semaphore(%arg25 : memref<!tpu.dma_semaphore, #tpu.memory_space<semaphore_mem>>) src(%dma_wait3A_423 : memref<16x768xf32, #tpu.memory_space<vmem>>) dst(%dma_wait3A_426 : memref<12288x768xf32, #tpu.memory_space<hbm>>)
    %dma_wait3A_427 = arith.constant 32 : i32
    %dma_wait3A_428 = tpu.memref_slice %arg11[%dma_wait3A_427] : memref<128xf32, #tpu.memory_space<vmem>> -> memref<16xf32, #tpu.memory_space<vmem>>
    %dma_wait3A_429 = arith.constant 0 : i32
    %dma_wait3A_430 = tpu.memref_slice %arg8[%dma_wait3A_429] : memref<12288xf32, #tpu.memory_space<hbm>> -> memref<12288xf32, #tpu.memory_space<hbm>>
    tpu.wait_indirect_dma semaphore(%arg26 : memref<!tpu.dma_semaphore, #tpu.memory_space<semaphore_mem>>) src(%dma_wait3A_428 : memref<16xf32, #tpu.memory_space<vmem>>) dst(%dma_wait3A_430 : memref<12288xf32, #tpu.memory_space<hbm>>)
    %dma_wait3A_431 = arith.constant 32 : i32
    %dma_wait3A_432 = arith.constant 0 : i32
    %dma_wait3A_433 = tpu.memref_slice %arg10[%dma_wait3A_431, %dma_wait3A_432] : memref<128x768xf32, #tpu.memory_space<vmem>> -> memref<16x768xf32, #tpu.memory_space<vmem>>
    %dma_wait3A_434 = arith.constant 0 : i32
    %dma_wait3A_435 = arith.constant 0 : i32
    %dma_wait3A_436 = tpu.memref_slice %arg7[%dma_wait3A_434, %dma_wait3A_435] : memref<12288x768xf32, #tpu.memory_space<hbm>> -> memref<12288x768xf32, #tpu.memory_space<hbm>>
    tpu.wait_indirect_dma semaphore(%arg25 : memref<!tpu.dma_semaphore, #tpu.memory_space<semaphore_mem>>) src(%dma_wait3A_433 : memref<16x768xf32, #tpu.memory_space<vmem>>) dst(%dma_wait3A_436 : memref<12288x768xf32, #tpu.memory_space<hbm>>)
    %dma_wait3A_437 = arith.constant 48 : i32
    %dma_wait3A_438 = tpu.memref_slice %arg11[%dma_wait3A_437] : memref<128xf32, #tpu.memory_space<vmem>> -> memref<16xf32, #tpu.memory_space<vmem>>
    %dma_wait3A_439 = arith.constant 0 : i32
    %dma_wait3A_440 = tpu.memref_slice %arg8[%dma_wait3A_439] : memref<12288xf32, #tpu.memory_space<hbm>> -> memref<12288xf32, #tpu.memory_space<hbm>>
    tpu.wait_indirect_dma semaphore(%arg26 : memref<!tpu.dma_semaphore, #tpu.memory_space<semaphore_mem>>) src(%dma_wait3A_438 : memref<16xf32, #tpu.memory_space<vmem>>) dst(%dma_wait3A_440 : memref<12288xf32, #tpu.memory_space<hbm>>)
    %dma_wait3A_441 = arith.constant 48 : i32
    %dma_wait3A_442 = arith.constant 0 : i32
    %dma_wait3A_443 = tpu.memref_slice %arg10[%dma_wait3A_441, %dma_wait3A_442] : memref<128x768xf32, #tpu.memory_space<vmem>> -> memref<16x768xf32, #tpu.memory_space<vmem>>
    %dma_wait3A_444 = arith.constant 0 : i32
    %dma_wait3A_445 = arith.constant 0 : i32
    %dma_wait3A_446 = tpu.memref_slice %arg7[%dma_wait3A_444, %dma_wait3A_445] : memref<12288x768xf32, #tpu.memory_space<hbm>> -> memref<12288x768xf32, #tpu.memory_space<hbm>>
    tpu.wait_indirect_dma semaphore(%arg25 : memref<!tpu.dma_semaphore, #tpu.memory_space<semaphore_mem>>) src(%dma_wait3A_443 : memref<16x768xf32, #tpu.memory_space<vmem>>) dst(%dma_wait3A_446 : memref<12288x768xf32, #tpu.memory_space<hbm>>)
    %dma_wait3A_447 = arith.constant 64 : i32
    %dma_wait3A_448 = tpu.memref_slice %arg11[%dma_wait3A_447] : memref<128xf32, #tpu.memory_space<vmem>> -> memref<16xf32, #tpu.memory_space<vmem>>
    %dma_wait3A_449 = arith.constant 0 : i32
    %dma_wait3A_450 = tpu.memref_slice %arg8[%dma_wait3A_449] : memref<12288xf32, #tpu.memory_space<hbm>> -> memref<12288xf32, #tpu.memory_space<hbm>>
    tpu.wait_indirect_dma semaphore(%arg26 : memref<!tpu.dma_semaphore, #tpu.memory_space<semaphore_mem>>) src(%dma_wait3A_448 : memref<16xf32, #tpu.memory_space<vmem>>) dst(%dma_wait3A_450 : memref<12288xf32, #tpu.memory_space<hbm>>)
    %dma_wait3A_451 = arith.constant 64 : i32
    %dma_wait3A_452 = arith.constant 0 : i32
    %dma_wait3A_453 = tpu.memref_slice %arg10[%dma_wait3A_451, %dma_wait3A_452] : memref<128x768xf32, #tpu.memory_space<vmem>> -> memref<16x768xf32, #tpu.memory_space<vmem>>
    %dma_wait3A_454 = arith.constant 0 : i32
    %dma_wait3A_455 = arith.constant 0 : i32
    %dma_wait3A_456 = tpu.memref_slice %arg7[%dma_wait3A_454, %dma_wait3A_455] : memref<12288x768xf32, #tpu.memory_space<hbm>> -> memref<12288x768xf32, #tpu.memory_space<hbm>>
    tpu.wait_indirect_dma semaphore(%arg25 : memref<!tpu.dma_semaphore, #tpu.memory_space<semaphore_mem>>) src(%dma_wait3A_453 : memref<16x768xf32, #tpu.memory_space<vmem>>) dst(%dma_wait3A_456 : memref<12288x768xf32, #tpu.memory_space<hbm>>)
    %dma_wait3A_457 = arith.constant 80 : i32
    %dma_wait3A_458 = tpu.memref_slice %arg11[%dma_wait3A_457] : memref<128xf32, #tpu.memory_space<vmem>> -> memref<16xf32, #tpu.memory_space<vmem>>
    %dma_wait3A_459 = arith.constant 0 : i32
    %dma_wait3A_460 = tpu.memref_slice %arg8[%dma_wait3A_459] : memref<12288xf32, #tpu.memory_space<hbm>> -> memref<12288xf32, #tpu.memory_space<hbm>>
    tpu.wait_indirect_dma semaphore(%arg26 : memref<!tpu.dma_semaphore, #tpu.memory_space<semaphore_mem>>) src(%dma_wait3A_458 : memref<16xf32, #tpu.memory_space<vmem>>) dst(%dma_wait3A_460 : memref<12288xf32, #tpu.memory_space<hbm>>)
    %dma_wait3A_461 = arith.constant 80 : i32
    %dma_wait3A_462 = arith.constant 0 : i32
    %dma_wait3A_463 = tpu.memref_slice %arg10[%dma_wait3A_461, %dma_wait3A_462] : memref<128x768xf32, #tpu.memory_space<vmem>> -> memref<16x768xf32, #tpu.memory_space<vmem>>
    %dma_wait3A_464 = arith.constant 0 : i32
    %dma_wait3A_465 = arith.constant 0 : i32
    %dma_wait3A_466 = tpu.memref_slice %arg7[%dma_wait3A_464, %dma_wait3A_465] : memref<12288x768xf32, #tpu.memory_space<hbm>> -> memref<12288x768xf32, #tpu.memory_space<hbm>>
    tpu.wait_indirect_dma semaphore(%arg25 : memref<!tpu.dma_semaphore, #tpu.memory_space<semaphore_mem>>) src(%dma_wait3A_463 : memref<16x768xf32, #tpu.memory_space<vmem>>) dst(%dma_wait3A_466 : memref<12288x768xf32, #tpu.memory_space<hbm>>)
    %dma_wait3A_467 = arith.constant 96 : i32
    %dma_wait3A_468 = tpu.memref_slice %arg11[%dma_wait3A_467] : memref<128xf32, #tpu.memory_space<vmem>> -> memref<16xf32, #tpu.memory_space<vmem>>
    %dma_wait3A_469 = arith.constant 0 : i32
    %dma_wait3A_470 = tpu.memref_slice %arg8[%dma_wait3A_469] : memref<12288xf32, #tpu.memory_space<hbm>> -> memref<12288xf32, #tpu.memory_space<hbm>>
    tpu.wait_indirect_dma semaphore(%arg26 : memref<!tpu.dma_semaphore, #tpu.memory_space<semaphore_mem>>) src(%dma_wait3A_468 : memref<16xf32, #tpu.memory_space<vmem>>) dst(%dma_wait3A_470 : memref<12288xf32, #tpu.memory_space<hbm>>)
    %dma_wait3A_471 = arith.constant 96 : i32
    %dma_wait3A_472 = arith.constant 0 : i32
    %dma_wait3A_473 = tpu.memref_slice %arg10[%dma_wait3A_471, %dma_wait3A_472] : memref<128x768xf32, #tpu.memory_space<vmem>> -> memref<16x768xf32, #tpu.memory_space<vmem>>
    %dma_wait3A_474 = arith.constant 0 : i32
    %dma_wait3A_475 = arith.constant 0 : i32
    %dma_wait3A_476 = tpu.memref_slice %arg7[%dma_wait3A_474, %dma_wait3A_475] : memref<12288x768xf32, #tpu.memory_space<hbm>> -> memref<12288x768xf32, #tpu.memory_space<hbm>>
    tpu.wait_indirect_dma semaphore(%arg25 : memref<!tpu.dma_semaphore, #tpu.memory_space<semaphore_mem>>) src(%dma_wait3A_473 : memref<16x768xf32, #tpu.memory_space<vmem>>) dst(%dma_wait3A_476 : memref<12288x768xf32, #tpu.memory_space<hbm>>)
    %dma_wait3A_477 = arith.constant 112 : i32
    %dma_wait3A_478 = tpu.memref_slice %arg11[%dma_wait3A_477] : memref<128xf32, #tpu.memory_space<vmem>> -> memref<16xf32, #tpu.memory_space<vmem>>
    %dma_wait3A_479 = arith.constant 0 : i32
    %dma_wait3A_480 = tpu.memref_slice %arg8[%dma_wait3A_479] : memref<12288xf32, #tpu.memory_space<hbm>> -> memref<12288xf32, #tpu.memory_space<hbm>>
    tpu.wait_indirect_dma semaphore(%arg26 : memref<!tpu.dma_semaphore, #tpu.memory_space<semaphore_mem>>) src(%dma_wait3A_478 : memref<16xf32, #tpu.memory_space<vmem>>) dst(%dma_wait3A_480 : memref<12288xf32, #tpu.memory_space<hbm>>)
    %dma_wait3A_481 = arith.constant 112 : i32
    %dma_wait3A_482 = arith.constant 0 : i32
    %dma_wait3A_483 = tpu.memref_slice %arg10[%dma_wait3A_481, %dma_wait3A_482] : memref<128x768xf32, #tpu.memory_space<vmem>> -> memref<16x768xf32, #tpu.memory_space<vmem>>
    %dma_wait3A_484 = arith.constant 0 : i32
    %dma_wait3A_485 = arith.constant 0 : i32
    %dma_wait3A_486 = tpu.memref_slice %arg7[%dma_wait3A_484, %dma_wait3A_485] : memref<12288x768xf32, #tpu.memory_space<hbm>> -> memref<12288x768xf32, #tpu.memory_space<hbm>>
    tpu.wait_indirect_dma semaphore(%arg25 : memref<!tpu.dma_semaphore, #tpu.memory_space<semaphore_mem>>) src(%dma_wait3A_483 : memref<16x768xf32, #tpu.memory_space<vmem>>) dst(%dma_wait3A_486 : memref<12288x768xf32, #tpu.memory_space<hbm>>)
    return
  }
}

#map = affine_map<(d0, d1) -> (0, 0)>
#map1 = affine_map<(d0, d1) -> (0)>
module attributes {stable_mosaic.version = 14 : i64} {
  func.func @_sc_gather_body(%arg0: i32, %arg1: i32, %arg2: memref<12288x768xf32, #tpu.memory_space<hbm>>, %arg3: memref<4096xi32, #tpu.memory_space<hbm>>, %arg4: memref<4096x768xf32, #tpu.memory_space<hbm>>, %arg5: memref<128xi32, #tpu.memory_space<vmem>>, %arg6: memref<128x768xf32, #tpu.memory_space<vmem>>, %arg7: memref<!tpu.dma_semaphore, #tpu.memory_space<semaphore_mem>>) attributes {dimension_semantics = [#tpu.dimension_semantics<core_parallel>, #tpu.dimension_semantics<subcore_parallel>], iteration_bounds = array<i64: 2, 16>, scalar_prefetch = 0 : i64, scratch_operands = 3 : i64, tpu.core_type = #tpu.core_type<sc_vector_subcore>, window_params = [{transform_indices = #map}, {transform_indices = #map1}, {transform_indices = #map}]} {
    %mul3A = arith.constant 2 : i32
    %mul3A_0 = arith.muli %arg1, %mul3A : i32
    %add3A = arith.addi %mul3A_0, %arg0 : i32
    %mul3A_1 = arith.constant 128 : i32
    %mul3A_2 = arith.muli %add3A, %mul3A_1 : i32
    "tpu.region"() ({
      %run_scoped3A = tpu.sem_alloc : memref<!tpu.dma_semaphore, #tpu.memory_space<semaphore_mem>>
      %dma_start3A_7 = tpu.memref_slice %arg3[%mul3A_2] : memref<4096xi32, #tpu.memory_space<hbm>> -> memref<128xi32, #tpu.memory_space<hbm>>
      %dma_start3A_8 = tpu.memref_slice %arg3[%mul3A_2] : memref<4096xi32, #tpu.memory_space<hbm>> -> memref<128xi32, #tpu.memory_space<hbm>>
      tpu.enqueue_dma source(%dma_start3A_8 : memref<128xi32, #tpu.memory_space<hbm>>) target(%arg5 : memref<128xi32, #tpu.memory_space<vmem>>) target_semaphore(%run_scoped3A : memref<!tpu.dma_semaphore, #tpu.memory_space<semaphore_mem>>)
      %dma_wait3A_9 = tpu.memref_slice %arg3[%mul3A_2] : memref<4096xi32, #tpu.memory_space<hbm>> -> memref<128xi32, #tpu.memory_space<hbm>>
      %dma_wait3A_10 = tpu.memref_slice %arg3[%mul3A_2] : memref<4096xi32, #tpu.memory_space<hbm>> -> memref<128xi32, #tpu.memory_space<hbm>>
      tpu.wait_dma2 semaphore(%run_scoped3A : memref<!tpu.dma_semaphore, #tpu.memory_space<semaphore_mem>>) src(%dma_wait3A_10 : memref<128xi32, #tpu.memory_space<hbm>>) dst(%arg5 : memref<128xi32, #tpu.memory_space<vmem>>)
      tpu.yield
    }) : () -> ()
    %dma_start3A = arith.constant 0 : i32
    %dma_start3A_3 = arith.constant 0 : i32
    %dma_start3A_4 = tpu.memref_slice %arg2[%dma_start3A, %dma_start3A_3] : memref<12288x768xf32, #tpu.memory_space<hbm>> -> memref<12288x768xf32, #tpu.memory_space<hbm>>
    tpu.enqueue_indirect_dma source(%dma_start3A_4 : memref<12288x768xf32, #tpu.memory_space<hbm>>) target(%arg6 : memref<128x768xf32, #tpu.memory_space<vmem>>) offsets(%arg5 : memref<128xi32, #tpu.memory_space<vmem>>) semaphore(%arg7 : memref<!tpu.dma_semaphore, #tpu.memory_space<semaphore_mem>>)
    %dma_wait3A = arith.constant 0 : i32
    %dma_wait3A_5 = arith.constant 0 : i32
    %dma_wait3A_6 = tpu.memref_slice %arg2[%dma_wait3A, %dma_wait3A_5] : memref<12288x768xf32, #tpu.memory_space<hbm>> -> memref<12288x768xf32, #tpu.memory_space<hbm>>
    tpu.wait_indirect_dma semaphore(%arg7 : memref<!tpu.dma_semaphore, #tpu.memory_space<semaphore_mem>>) src(%dma_wait3A_6 : memref<12288x768xf32, #tpu.memory_space<hbm>>) dst(%arg6 : memref<128x768xf32, #tpu.memory_space<vmem>>)
    "tpu.region"() ({
      %run_scoped3A = tpu.sem_alloc : memref<!tpu.dma_semaphore, #tpu.memory_space<semaphore_mem>>
      %dma_start3A_7 = arith.constant 0 : i32
      %dma_start3A_8 = tpu.memref_slice %arg4[%mul3A_2, %dma_start3A_7] : memref<4096x768xf32, #tpu.memory_space<hbm>> -> memref<128x768xf32, #tpu.memory_space<hbm>>
      %dma_start3A_9 = arith.constant 0 : i32
      %dma_start3A_10 = tpu.memref_slice %arg4[%mul3A_2, %dma_start3A_9] : memref<4096x768xf32, #tpu.memory_space<hbm>> -> memref<128x768xf32, #tpu.memory_space<hbm>>
      tpu.enqueue_dma source(%arg6 : memref<128x768xf32, #tpu.memory_space<vmem>>) target(%dma_start3A_10 : memref<128x768xf32, #tpu.memory_space<hbm>>) target_semaphore(%run_scoped3A : memref<!tpu.dma_semaphore, #tpu.memory_space<semaphore_mem>>)
      %dma_wait3A_11 = arith.constant 0 : i32
      %dma_wait3A_12 = tpu.memref_slice %arg4[%mul3A_2, %dma_wait3A_11] : memref<4096x768xf32, #tpu.memory_space<hbm>> -> memref<128x768xf32, #tpu.memory_space<hbm>>
      %dma_wait3A_13 = arith.constant 0 : i32
      %dma_wait3A_14 = tpu.memref_slice %arg4[%mul3A_2, %dma_wait3A_13] : memref<4096x768xf32, #tpu.memory_space<hbm>> -> memref<128x768xf32, #tpu.memory_space<hbm>>
      tpu.wait_dma2 semaphore(%run_scoped3A : memref<!tpu.dma_semaphore, #tpu.memory_space<semaphore_mem>>) src(%arg6 : memref<128x768xf32, #tpu.memory_space<vmem>>) dst(%dma_wait3A_14 : memref<128x768xf32, #tpu.memory_space<hbm>>)
      tpu.yield
    }) : () -> ()
    return
  }
}

module attributes {stable_mosaic.version = 14 : i64} {
  func.func @_router_body(%arg0: i32, %arg1: memref<1024x768xf32, #tpu.memory_space<vmem>>, %arg2: memref<64x768xf32, #tpu.memory_space<vmem>>, %arg3: memref<1024x1xi32, #tpu.memory_space<vmem>>, %arg4: memref<1024x1xf32, #tpu.memory_space<vmem>>, %arg5: memref<1024x1xi32, #tpu.memory_space<vmem>>, %arg6: memref<1x64xf32, #tpu.memory_space<vmem>>, %arg7: memref<1x64xi32, #tpu.memory_space<vmem>>, %arg8: memref<96x1xi32, #tpu.memory_space<vmem>>, %arg9: memref<96x1xi32, #tpu.memory_space<vmem>>, %arg10: memref<96x1xi32, #tpu.memory_space<vmem>>) attributes {dimension_semantics = [#tpu.dimension_semantics<arbitrary>], iteration_bounds = array<i64: 4>, scalar_prefetch = 0 : i64, scratch_operands = 0 : i64, tpu.core_type = #tpu.core_type<tc>, window_params = [{transform_indices = @transform_0, window_bounds = array<i64: 1024, 768>}, {pipeline_mode = #tpu.pipeline_mode<synchronous>, transform_indices = @transform_1, window_bounds = array<i64: 64, 768>}, {transform_indices = @transform_2, window_bounds = array<i64: 1024, 1>}, {transform_indices = @transform_3, window_bounds = array<i64: 1024, 1>}, {transform_indices = @transform_4, window_bounds = array<i64: 1024, 1>}, {pipeline_mode = #tpu.pipeline_mode<synchronous>, transform_indices = @transform_5, window_bounds = array<i64: 1, 64>}, {pipeline_mode = #tpu.pipeline_mode<synchronous>, transform_indices = @transform_6, window_bounds = array<i64: 1, 64>}, {pipeline_mode = #tpu.pipeline_mode<synchronous>, transform_indices = @transform_7, window_bounds = array<i64: 96, 1>}, {pipeline_mode = #tpu.pipeline_mode<synchronous>, transform_indices = @transform_8, window_bounds = array<i64: 96, 1>}, {pipeline_mode = #tpu.pipeline_mode<synchronous>, transform_indices = @transform_9, window_bounds = array<i64: 96, 1>}]} {
    %get3A = arith.constant 0 : index
    %get3A_0 = arith.constant 0 : index
    %get3A_1 = vector.load %arg1[%get3A, %get3A_0] : memref<1024x768xf32, #tpu.memory_space<vmem>>, vector<1024x768xf32>
    %get3A_2 = arith.constant 0 : index
    %get3A_3 = arith.constant 0 : index
    %get3A_4 = vector.load %arg2[%get3A_2, %get3A_3] : memref<64x768xf32, #tpu.memory_space<vmem>>, vector<64x768xf32>
    %dot_general3A = arith.constant dense<0.000000e+00> : vector<1024x64xf32>
    %dot_general3A_5 = tpu.matmul %get3A_1, %get3A_4, %dot_general3A {dimension_numbers = #tpu.dot_dimension_numbers<[1], [1], [0], [0], [0, 0, 1, 0], [], []>, transpose_lhs_hint = false} : vector<1024x768xf32>, vector<64x768xf32>, vector<1024x64xf32> -> vector<1024x64xf32>
    %reduce_max3A = arith.constant dense<0xFF800000> : vector<1024xf32>
    %reduce_max3A_6 = vector.multi_reduction <maximumf>, %dot_general3A_5, %reduce_max3A [1] : vector<1024x64xf32> to vector<1024xf32>
    %broadcast_in_dim3A = vector.shape_cast %reduce_max3A_6 : vector<1024xf32> to vector<1024x1xf32>
    %sub3A = vector.broadcast %broadcast_in_dim3A : vector<1024x1xf32> to vector<1024x64xf32>
    %sub3A_7 = arith.subf %dot_general3A_5, %sub3A : vector<1024x64xf32>
    %exp3A = math.exp %sub3A_7 : vector<1024x64xf32>
    %reduce_sum3A = arith.constant dense<0.000000e+00> : vector<1024xf32>
    %reduce_sum3A_8 = vector.multi_reduction <add>, %exp3A, %reduce_sum3A [1] : vector<1024x64xf32> to vector<1024xf32>
    %broadcast_in_dim3A_9 = vector.shape_cast %reduce_sum3A_8 : vector<1024xf32> to vector<1024x1xf32>
    %div3A = arith.constant 1.000000e+00 : f32
    %div3A_10 = vector.broadcast %div3A : f32 to vector<1024x1xf32>
    %div3A_11 = arith.divf %div3A_10, %broadcast_in_dim3A_9 : vector<1024x1xf32>
    %argmax3A = tpu.reduce_index %dot_general3A_5 {axis = 1 : i32, kind = #tpu.reduction_kind<arg_max>} : vector<1024x64xf32> -> vector<1024xi32>
    %iota3A = tpu.iota {dimensions = array<i32: 1>} : vector<1024x64xi32>
    %broadcast_in_dim3A_12 = vector.shape_cast %argmax3A : vector<1024xi32> to vector<1024x1xi32>
    %eq3A = vector.broadcast %broadcast_in_dim3A_12 : vector<1024x1xi32> to vector<1024x64xi32>
    %eq3A_13 = arith.cmpi eq, %iota3A, %eq3A : vector<1024x64xi32>
    %convert_element_type3A = arith.extui %eq3A_13 : vector<1024x64xi1> to vector<1024x64xi32>
    %convert_element_type3A_14 = arith.sitofp %convert_element_type3A : vector<1024x64xi32> to vector<1024x64xf32>
    %iota3A_15 = tpu.iota {dimensions = array<i32: 0>} : vector<1024x1024xi32>
    %iota3A_16 = tpu.iota {dimensions = array<i32: 1>} : vector<1024x1024xi32>
    %lt3A = arith.cmpi slt, %iota3A_16, %iota3A_15 : vector<1024x1024xi32>
    %convert_element_type3A_17 = arith.extui %lt3A : vector<1024x1024xi1> to vector<1024x1024xi32>
    %convert_element_type3A_18 = arith.sitofp %convert_element_type3A_17 : vector<1024x1024xi32> to vector<1024x1024xf32>
    %dot_general3A_19 = arith.constant dense<0.000000e+00> : vector<1024x64xf32>
    %dot_general3A_20 = tpu.matmul %convert_element_type3A_18, %convert_element_type3A_14, %dot_general3A_19 {dimension_numbers = #tpu.dot_dimension_numbers<[1], [0], [0], [1], [0, 0, 1, 1], [], []>, transpose_lhs_hint = false} : vector<1024x1024xf32>, vector<1024x64xf32>, vector<1024x64xf32> -> vector<1024x64xf32>
    %eq3A_21 = arith.constant 0 : i32
    %eq3A_22 = arith.cmpi eq, %arg0, %eq3A_21 : i32
    %convert_element_type3A_23 = arith.extui %eq3A_22 : i1 to i32
    %cond3A = arith.constant 0 : i32
    %cond3A_24 = arith.cmpi ne, %convert_element_type3A_23, %cond3A : i32
    scf.if %cond3A_24 {
      %broadcast_in_dim3A_54 = arith.constant 0.000000e+00 : f32
      %broadcast_in_dim3A_55 = vector.broadcast %broadcast_in_dim3A_54 : f32 to vector<1x64xf32>
      %swap3A_56 = arith.constant 0 : index
      %swap3A_57 = arith.constant 0 : index
      %swap3A_58 = vector.load %arg6[%swap3A_56, %swap3A_57] : memref<1x64xf32, #tpu.memory_space<vmem>>, vector<1x64xf32>
      tpu.vector_store %arg6[%swap3A_56, %swap3A_57], %broadcast_in_dim3A_55 {strides = array<i32>} : memref<1x64xf32, #tpu.memory_space<vmem>>, vector<1x64xf32>,
    } else {
    }
    %get3A_25 = arith.constant 0 : index
    %get3A_26 = arith.constant 0 : index
    %get3A_27 = vector.load %arg6[%get3A_25, %get3A_26] : memref<1x64xf32, #tpu.memory_space<vmem>>, vector<1x64xf32>
    %add3A = vector.broadcast %get3A_27 : vector<1x64xf32> to vector<1024x64xf32>
    %add3A_28 = arith.addf %dot_general3A_20, %add3A : vector<1024x64xf32>
    %mul3A = arith.mulf %add3A_28, %convert_element_type3A_14 : vector<1024x64xf32>
    %reduce_sum3A_29 = arith.constant dense<0.000000e+00> : vector<1024xf32>
    %reduce_sum3A_30 = vector.multi_reduction <add>, %mul3A, %reduce_sum3A_29 [1] : vector<1024x64xf32> to vector<1024xf32>
    %broadcast_in_dim3A_31 = vector.shape_cast %reduce_sum3A_30 : vector<1024xf32> to vector<1024x1xf32>
    %reduce_sum3A_32 = arith.constant dense<0.000000e+00> : vector<64xf32>
    %reduce_sum3A_33 = vector.multi_reduction <add>, %convert_element_type3A_14, %reduce_sum3A_32 [0] : vector<1024x64xf32> to vector<64xf32>
    %broadcast_in_dim3A_34 = vector.shape_cast %reduce_sum3A_33 : vector<64xf32> to vector<1x64xf32>
    %add3A_35 = arith.addf %get3A_27, %broadcast_in_dim3A_34 : vector<1x64xf32>
    %swap3A = arith.constant 0 : index
    %swap3A_36 = arith.constant 0 : index
    %swap3A_37 = vector.load %arg6[%swap3A, %swap3A_36] : memref<1x64xf32, #tpu.memory_space<vmem>>, vector<1x64xf32>
    tpu.vector_store %arg6[%swap3A, %swap3A_36], %add3A_35 {strides = array<i32>} : memref<1x64xf32, #tpu.memory_space<vmem>>, vector<1x64xf32>,
    %broadcast_in_dim3A_38 = vector.shape_cast %argmax3A : vector<1024xi32> to vector<1024x1xi32>
    %swap3A_39 = arith.constant 0 : index
    %swap3A_40 = arith.constant 0 : index
    %swap3A_41 = vector.load %arg3[%swap3A_39, %swap3A_40] : memref<1024x1xi32, #tpu.memory_space<vmem>>, vector<1024x1xi32>
    tpu.vector_store %arg3[%swap3A_39, %swap3A_40], %broadcast_in_dim3A_38 {strides = array<i32>} : memref<1024x1xi32, #tpu.memory_space<vmem>>, vector<1024x1xi32>,
    %swap3A_42 = arith.constant 0 : index
    %swap3A_43 = arith.constant 0 : index
    %swap3A_44 = vector.load %arg4[%swap3A_42, %swap3A_43] : memref<1024x1xf32, #tpu.memory_space<vmem>>, vector<1024x1xf32>
    tpu.vector_store %arg4[%swap3A_42, %swap3A_43], %div3A_11 {strides = array<i32>} : memref<1024x1xf32, #tpu.memory_space<vmem>>, vector<1024x1xf32>,
    %convert_element_type3A_45 = arith.fptosi %broadcast_in_dim3A_31 : vector<1024x1xf32> to vector<1024x1xi32>
    %swap3A_46 = arith.constant 0 : index
    %swap3A_47 = arith.constant 0 : index
    %swap3A_48 = vector.load %arg5[%swap3A_46, %swap3A_47] : memref<1024x1xi32, #tpu.memory_space<vmem>>, vector<1024x1xi32>
    tpu.vector_store %arg5[%swap3A_46, %swap3A_47], %convert_element_type3A_45 {strides = array<i32>} : memref<1024x1xi32, #tpu.memory_space<vmem>>, vector<1024x1xi32>,
    %eq3A_49 = arith.constant 3 : i32
    %eq3A_50 = arith.cmpi eq, %arg0, %eq3A_49 : i32
    %convert_element_type3A_51 = arith.extui %eq3A_50 : i1 to i32
    %cond3A_52 = arith.constant 0 : i32
    %cond3A_53 = arith.cmpi ne, %convert_element_type3A_51, %cond3A_52 : i32
    scf.if %cond3A_53 {
      %mul3A_54 = arith.constant 7.812500e-03 : f32
      %mul3A_55 = vector.broadcast %mul3A_54 : f32 to vector<1x64xf32>
      %mul3A_56 = arith.mulf %add3A_35, %mul3A_55 : vector<1x64xf32>
      %ceil3A = math.ceil %mul3A_56 : vector<1x64xf32>
      %mul3A_57 = arith.constant 1.280000e+02 : f32
      %mul3A_58 = vector.broadcast %mul3A_57 : f32 to vector<1x64xf32>
      %mul3A_59 = arith.mulf %ceil3A, %mul3A_58 : vector<1x64xf32>
      %iota3A_60 = tpu.iota {dimensions = array<i32: 0>} : vector<64x64xi32>
      %iota3A_61 = tpu.iota {dimensions = array<i32: 1>} : vector<64x64xi32>
      %le3A = arith.cmpi sle, %iota3A_60, %iota3A_61 : vector<64x64xi32>
      %convert_element_type3A_62 = arith.extui %le3A : vector<64x64xi1> to vector<64x64xi32>
      %convert_element_type3A_63 = arith.sitofp %convert_element_type3A_62 : vector<64x64xi32> to vector<64x64xf32>
      %dot_general3A_64 = arith.constant dense<0.000000e+00> : vector<1x64xf32>
      %dot_general3A_65 = tpu.matmul %mul3A_59, %convert_element_type3A_63, %dot_general3A_64 {dimension_numbers = #tpu.dot_dimension_numbers<[1], [0], [0], [1], [0, 0, 1, 1], [], []>, transpose_lhs_hint = false} : vector<1x64xf32>, vector<64x64xf32>, vector<1x64xf32> -> vector<1x64xf32>
      %sub3A_66 = arith.subf %dot_general3A_65, %mul3A_59 : vector<1x64xf32>
      %convert_element_type3A_67 = arith.fptosi %sub3A_66 : vector<1x64xf32> to vector<1x64xi32>
      %swap3A_68 = arith.constant 0 : index
      %swap3A_69 = arith.constant 0 : index
      %swap3A_70 = vector.load %arg7[%swap3A_68, %swap3A_69] : memref<1x64xi32, #tpu.memory_space<vmem>>, vector<1x64xi32>
      tpu.vector_store %arg7[%swap3A_68, %swap3A_69], %convert_element_type3A_67 {strides = array<i32>} : memref<1x64xi32, #tpu.memory_space<vmem>>, vector<1x64xi32>,
      %reduce_max3A_71 = vector.shape_cast %dot_general3A_65 : vector<1x64xf32> to vector<1x1x64xf32>
      %reduce_max3A_72 = arith.constant dense<0xFF800000> : vector<1xf32>
      %reduce_max3A_73 = vector.multi_reduction <maximumf>, %reduce_max3A_71, %reduce_max3A_72 [1, 2] : vector<1x1x64xf32> to vector<1xf32>
      %reduce_max3A_74 = vector.shape_cast %reduce_max3A_73 : vector<1xf32> to vector<1x1x1xf32>
      %reduce_max3A_75 = vector.extract %reduce_max3A_74[0, 0, 0] : f32 from vector<1x1x1xf32>
      %iota3A_76 = tpu.iota {dimensions = array<i32: 0>} : vector<96x1xi32>
      %mul3A_77 = arith.constant 128 : i32
      %mul3A_78 = vector.broadcast %mul3A_77 : i32 to vector<96x1xi32>
      %mul3A_79 = arith.muli %iota3A_76, %mul3A_78 : vector<96x1xi32>
      %convert_element_type3A_80 = arith.sitofp %mul3A_79 : vector<96x1xi32> to vector<96x1xf32>
      %broadcast_in_dim3A_81 = vector.shape_cast %dot_general3A_65 : vector<1x64xf32> to vector<1x64xf32>
      %broadcast_in_dim3A_82 = vector.broadcast %broadcast_in_dim3A_81 : vector<1x64xf32> to vector<96x64xf32>
      %le3A_83 = vector.broadcast %convert_element_type3A_80 : vector<96x1xf32> to vector<96x64xf32>
      %le3A_84 = arith.cmpf ole, %broadcast_in_dim3A_82, %le3A_83 : vector<96x64xf32>
      %convert_element_type3A_85 = arith.extui %le3A_84 : vector<96x64xi1> to vector<96x64xi32>
      %convert_element_type3A_86 = arith.sitofp %convert_element_type3A_85 : vector<96x64xi32> to vector<96x64xf32>
      %reduce_sum3A_87 = arith.constant dense<0.000000e+00> : vector<96xf32>
      %reduce_sum3A_88 = vector.multi_reduction <add>, %convert_element_type3A_86, %reduce_sum3A_87 [1] : vector<96x64xf32> to vector<96xf32>
      %broadcast_in_dim3A_89 = vector.shape_cast %reduce_sum3A_88 : vector<96xf32> to vector<96x1xf32>
      %lt3A_90 = vector.broadcast %reduce_max3A_75 : f32 to vector<1x64xf32>
      %lt3A_91 = arith.cmpf olt, %dot_general3A_65, %lt3A_90 : vector<1x64xf32>
      %convert_element_type3A_92 = arith.extui %lt3A_91 : vector<1x64xi1> to vector<1x64xi32>
      %convert_element_type3A_93 = arith.sitofp %convert_element_type3A_92 : vector<1x64xi32> to vector<1x64xf32>
      %reduce_sum3A_94 = vector.shape_cast %convert_element_type3A_93 : vector<1x64xf32> to vector<1x1x64xf32>
      %reduce_sum3A_95 = arith.constant dense<0.000000e+00> : vector<1xf32>
      %reduce_sum3A_96 = vector.multi_reduction <add>, %reduce_sum3A_94, %reduce_sum3A_95 [1, 2] : vector<1x1x64xf32> to vector<1xf32>
      %reduce_sum3A_97 = vector.shape_cast %reduce_sum3A_96 : vector<1xf32> to vector<1x1x1xf32>
      %reduce_sum3A_98 = vector.extract %reduce_sum3A_97[0, 0, 0] : f32 from vector<1x1x1xf32>
      %min3A = vector.broadcast %reduce_sum3A_98 : f32 to vector<96x1xf32>
      %min3A_99 = arith.minimumf %broadcast_in_dim3A_89, %min3A : vector<96x1xf32>
      %convert_element_type3A_100 = arith.fptosi %min3A_99 : vector<96x1xf32> to vector<96x1xi32>
      %swap3A_101 = arith.constant 0 : index
      %swap3A_102 = arith.constant 0 : index
      %swap3A_103 = vector.load %arg8[%swap3A_101, %swap3A_102] : memref<96x1xi32, #tpu.memory_space<vmem>>, vector<96x1xi32>
      tpu.vector_store %arg8[%swap3A_101, %swap3A_102], %convert_element_type3A_100 {strides = array<i32>} : memref<96x1xi32, #tpu.memory_space<vmem>>, vector<96x1xi32>,
      %lt3A_104 = vector.broadcast %reduce_max3A_75 : f32 to vector<96x1xf32>
      %lt3A_105 = arith.cmpf olt, %convert_element_type3A_80, %lt3A_104 : vector<96x1xf32>
      %convert_element_type3A_106 = arith.extui %lt3A_105 : vector<96x1xi1> to vector<96x1xi32>
      %swap3A_107 = arith.constant 0 : index
      %swap3A_108 = arith.constant 0 : index
      %swap3A_109 = vector.load %arg9[%swap3A_107, %swap3A_108] : memref<96x1xi32, #tpu.memory_space<vmem>>, vector<96x1xi32>
      tpu.vector_store %arg9[%swap3A_107, %swap3A_108], %convert_element_type3A_106 {strides = array<i32>} : memref<96x1xi32, #tpu.memory_space<vmem>>, vector<96x1xi32>,
      %iota3A_110 = tpu.iota {dimensions = array<i32: 0>} : vector<96x1xi32>
      %convert_element_type3A_111 = arith.sitofp %iota3A_110 : vector<96x1xi32> to vector<96x1xf32>
      %mul3A_112 = arith.constant 7.812500e-03 : f32
      %mul3A_113 = arith.mulf %reduce_max3A_75, %mul3A_112 : f32
      %sub3A_114 = arith.constant 1.000000e+00 : f32
      %sub3A_115 = arith.subf %mul3A_113, %sub3A_114 : f32
      %min3A_116 = vector.broadcast %sub3A_115 : f32 to vector<96x1xf32>
      %min3A_117 = arith.minimumf %convert_element_type3A_111, %min3A_116 : vector<96x1xf32>
      %convert_element_type3A_118 = arith.fptosi %min3A_117 : vector<96x1xf32> to vector<96x1xi32>
      %swap3A_119 = arith.constant 0 : index
      %swap3A_120 = arith.constant 0 : index
      %swap3A_121 = vector.load %arg10[%swap3A_119, %swap3A_120] : memref<96x1xi32, #tpu.memory_space<vmem>>, vector<96x1xi32>
      tpu.vector_store %arg10[%swap3A_119, %swap3A_120], %convert_element_type3A_118 {strides = array<i32>} : memref<96x1xi32, #tpu.memory_space<vmem>>, vector<96x1xi32>,
    } else {
    }
    return
  }
  func.func @transform_0(%arg0: i32) -> (i32, i32) {
    %c0_i32 = arith.constant 0 : i32
    %c0_i32_0 = arith.constant 0 : i32
    return %arg0, %c0_i32 : i32, i32
  }
  func.func @transform_1(%arg0: i32) -> (i32, i32) {
    %c0_i32 = arith.constant 0 : i32
    %c0_i32_0 = arith.constant 0 : i32
    %c0_i32_1 = arith.constant 0 : i32
    return %c0_i32, %c0_i32_0 : i32, i32
  }
  func.func @transform_2(%arg0: i32) -> (i32, i32) {
    %c0_i32 = arith.constant 0 : i32
    %c0_i32_0 = arith.constant 0 : i32
    return %arg0, %c0_i32 : i32, i32
  }
  func.func @transform_3(%arg0: i32) -> (i32, i32) {
    %c0_i32 = arith.constant 0 : i32
    %c0_i32_0 = arith.constant 0 : i32
    return %arg0, %c0_i32 : i32, i32
  }
  func.func @transform_4(%arg0: i32) -> (i32, i32) {
    %c0_i32 = arith.constant 0 : i32
    %c0_i32_0 = arith.constant 0 : i32
    return %arg0, %c0_i32 : i32, i32
  }
  func.func @transform_5(%arg0: i32) -> (i32, i32) {
    %c0_i32 = arith.constant 0 : i32
    %c0_i32_0 = arith.constant 0 : i32
    %c0_i32_1 = arith.constant 0 : i32
    return %c0_i32, %c0_i32_0 : i32, i32
  }
  func.func @transform_6(%arg0: i32) -> (i32, i32) {
    %c0_i32 = arith.constant 0 : i32
    %c0_i32_0 = arith.constant 0 : i32
    %c0_i32_1 = arith.constant 0 : i32
    return %c0_i32, %c0_i32_0 : i32, i32
  }
  func.func @transform_7(%arg0: i32) -> (i32, i32) {
    %c0_i32 = arith.constant 0 : i32
    %c0_i32_0 = arith.constant 0 : i32
    %c0_i32_1 = arith.constant 0 : i32
    return %c0_i32, %c0_i32_0 : i32, i32
  }
  func.func @transform_8(%arg0: i32) -> (i32, i32) {
    %c0_i32 = arith.constant 0 : i32
    %c0_i32_0 = arith.constant 0 : i32
    %c0_i32_1 = arith.constant 0 : i32
    return %c0_i32, %c0_i32_0 : i32, i32
  }
  func.func @transform_9(%arg0: i32) -> (i32, i32) {
    %c0_i32 = arith.constant 0 : i32
    %c0_i32_0 = arith.constant 0 : i32
    %c0_i32_1 = arith.constant 0 : i32
    return %c0_i32, %c0_i32_0 : i32, i32
  }
}

module attributes {stable_mosaic.version = 14 : i64} {
  func.func @_moe_body(%arg0: i32, %arg1: memref<96xi32, #tpu.memory_space<smem>>, %arg2: memref<96xi32, #tpu.memory_space<smem>>, %arg3: memref<96xi32, #tpu.memory_space<smem>>, %arg4: memref<128x768xf32, #tpu.memory_space<vmem>>, %arg5: memref<1x1x1536x768xf32, #tpu.memory_space<vmem>>, %arg6: memref<1x1x1536x768xf32, #tpu.memory_space<vmem>>, %arg7: memref<1x384x1536xf32, #tpu.memory_space<vmem>>, %arg8: memref<1x384x1536xf32, #tpu.memory_space<vmem>>, %arg9: memref<128x1xf32, #tpu.memory_space<vmem>>, %arg10: memref<128x768xf32, #tpu.memory_space<vmem>>) attributes {dimension_semantics = [#tpu.dimension_semantics<arbitrary>], iteration_bounds = array<i64: 96>, scalar_prefetch = 3 : i64, scratch_operands = 0 : i64, tpu.core_type = #tpu.core_type<tc>, window_params = [{transform_indices = @transform_0, window_bounds = array<i64: 128, 768>}, {transform_indices = @transform_1, window_bounds = array<i64: 1, 1, 1536, 768>}, {transform_indices = @transform_2, window_bounds = array<i64: 1, 1, 1536, 768>}, {transform_indices = @transform_3, window_bounds = array<i64: 1, 384, 1536>}, {transform_indices = @transform_4, window_bounds = array<i64: 1, 384, 1536>}, {transform_indices = @transform_5, window_bounds = array<i64: 128, 1>}, {transform_indices = @transform_6, window_bounds = array<i64: 128, 768>}]} {
    %get3A = arith.index_cast %arg0 : i32 to index
    %get3A_0 = memref.load %arg2[%get3A] : memref<96xi32, #tpu.memory_space<smem>>
    %ne3A = arith.constant 0 : i32
    %ne3A_1 = arith.cmpi ne, %get3A_0, %ne3A : i32
    %convert_element_type3A = arith.extui %ne3A_1 : i1 to i32
    %cond3A = arith.constant 0 : i32
    %cond3A_2 = arith.cmpi ne, %convert_element_type3A, %cond3A : i32
    scf.if %cond3A_2 {
      %get3A_3 = arith.constant 0 : index
      %get3A_4 = arith.constant 0 : index
      %get3A_5 = vector.load %arg4[%get3A_3, %get3A_4] : memref<128x768xf32, #tpu.memory_space<vmem>>, vector<128x768xf32>
      %get3A_6 = arith.constant 0 : index
      %get3A_7 = arith.constant 0 : index
      %get3A_8 = arith.constant 0 : index
      %get3A_9 = arith.constant 0 : index
      %get3A_10 = vector.load %arg5[%get3A_6, %get3A_7, %get3A_8, %get3A_9] : memref<1x1x1536x768xf32, #tpu.memory_space<vmem>>, vector<1x1x1536x768xf32>
      %get3A_11 = vector.shape_cast %get3A_10 : vector<1x1x1536x768xf32> to vector<1536x768xf32>
      %dot_general3A = arith.constant dense<0.000000e+00> : vector<128x1536xf32>
      %dot_general3A_12 = tpu.matmul %get3A_5, %get3A_11, %dot_general3A {dimension_numbers = #tpu.dot_dimension_numbers<[1], [1], [0], [0], [0, 0, 1, 0], [], []>, transpose_lhs_hint = false} : vector<128x768xf32>, vector<1536x768xf32>, vector<128x1536xf32> -> vector<128x1536xf32>
      %get3A_13 = arith.constant 0 : index
      %get3A_14 = arith.constant 0 : index
      %get3A_15 = arith.constant 0 : index
      %get3A_16 = arith.constant 0 : index
      %get3A_17 = vector.load %arg6[%get3A_13, %get3A_14, %get3A_15, %get3A_16] : memref<1x1x1536x768xf32, #tpu.memory_space<vmem>>, vector<1x1x1536x768xf32>
      %get3A_18 = vector.shape_cast %get3A_17 : vector<1x1x1536x768xf32> to vector<1536x768xf32>
      %dot_general3A_19 = arith.constant dense<0.000000e+00> : vector<128x1536xf32>
      %dot_general3A_20 = tpu.matmul %get3A_5, %get3A_18, %dot_general3A_19 {dimension_numbers = #tpu.dot_dimension_numbers<[1], [1], [0], [0], [0, 0, 1, 0], [], []>, transpose_lhs_hint = false} : vector<128x768xf32>, vector<1536x768xf32>, vector<128x1536xf32> -> vector<128x1536xf32>
      %logistic3A = arith.negf %dot_general3A_12 : vector<128x1536xf32>
      %logistic3A_21 = math.exp %logistic3A : vector<128x1536xf32>
      %logistic3A_22 = arith.constant 1.000000e+00 : f32
      %logistic3A_23 = vector.broadcast %logistic3A_22 : f32 to vector<128x1536xf32>
      %logistic3A_24 = arith.addf %logistic3A_23, %logistic3A_21 : vector<128x1536xf32>
      %logistic3A_25 = arith.divf %logistic3A_23, %logistic3A_24 : vector<128x1536xf32>
      %mul3A = arith.mulf %dot_general3A_12, %logistic3A_25 : vector<128x1536xf32>
      %mul3A_26 = arith.mulf %mul3A, %dot_general3A_20 : vector<128x1536xf32>
      %get3A_27 = arith.constant 0 : index
      %get3A_28 = arith.constant 0 : index
      %get3A_29 = vector.load %arg9[%get3A_27, %get3A_28] : memref<128x1xf32, #tpu.memory_space<vmem>>, vector<128x1xf32>
      %mul3A_30 = vector.broadcast %get3A_29 : vector<128x1xf32> to vector<128x1536xf32>
      %mul3A_31 = arith.mulf %mul3A_26, %mul3A_30 : vector<128x1536xf32>
      %get3A_32 = arith.constant 0 : index
      %get3A_33 = arith.constant 0 : index
      %get3A_34 = arith.constant 0 : index
      %get3A_35 = vector.load %arg7[%get3A_32, %get3A_33, %get3A_34] : memref<1x384x1536xf32, #tpu.memory_space<vmem>>, vector<1x384x1536xf32>
      %get3A_36 = vector.shape_cast %get3A_35 : vector<1x384x1536xf32> to vector<384x1536xf32>
      %dot_general3A_37 = arith.constant dense<0.000000e+00> : vector<128x384xf32>
      %dot_general3A_38 = tpu.matmul %mul3A_31, %get3A_36, %dot_general3A_37 {dimension_numbers = #tpu.dot_dimension_numbers<[1], [1], [0], [0], [0, 0, 1, 0], [], []>, transpose_lhs_hint = false} : vector<128x1536xf32>, vector<384x1536xf32>, vector<128x384xf32> -> vector<128x384xf32>
      %get3A_39 = arith.constant 0 : index
      %get3A_40 = arith.constant 0 : index
      %get3A_41 = arith.constant 0 : index
      %get3A_42 = vector.load %arg8[%get3A_39, %get3A_40, %get3A_41] : memref<1x384x1536xf32, #tpu.memory_space<vmem>>, vector<1x384x1536xf32>
      %get3A_43 = vector.shape_cast %get3A_42 : vector<1x384x1536xf32> to vector<384x1536xf32>
      %dot_general3A_44 = arith.constant dense<0.000000e+00> : vector<128x384xf32>
      %dot_general3A_45 = tpu.matmul %mul3A_31, %get3A_43, %dot_general3A_44 {dimension_numbers = #tpu.dot_dimension_numbers<[1], [1], [0], [0], [0, 0, 1, 0], [], []>, transpose_lhs_hint = false} : vector<128x1536xf32>, vector<384x1536xf32>, vector<128x384xf32> -> vector<128x384xf32>
      %swap3A = arith.constant 0 : index
      %swap3A_46 = arith.constant 0 : index
      %swap3A_47 = vector.load %arg10[%swap3A, %swap3A_46] : memref<128x768xf32, #tpu.memory_space<vmem>>, vector<128x384xf32>
      tpu.vector_store %arg10[%swap3A, %swap3A_46], %dot_general3A_38 {strides = array<i32>} : memref<128x768xf32, #tpu.memory_space<vmem>>, vector<128x384xf32>,
      %swap3A_48 = arith.constant 0 : index
      %swap3A_49 = arith.constant 384 : index
      %swap3A_50 = vector.load %arg10[%swap3A_48, %swap3A_49] : memref<128x768xf32, #tpu.memory_space<vmem>>, vector<128x384xf32>
      tpu.vector_store %arg10[%swap3A_48, %swap3A_49], %dot_general3A_45 {strides = array<i32>} : memref<128x768xf32, #tpu.memory_space<vmem>>, vector<128x384xf32>,
    } else {
    }
    return
  }
  func.func @transform_0(%arg0: i32, %arg1: memref<96xi32, #tpu.memory_space<smem>>, %arg2: memref<96xi32, #tpu.memory_space<smem>>, %arg3: memref<96xi32, #tpu.memory_space<smem>>) -> (i32, i32) {
    %get3A = arith.index_cast %arg0 : i32 to index
    %get3A_0 = memref.load %arg3[%get3A] : memref<96xi32, #tpu.memory_space<smem>>
    %c0_i32 = arith.constant 0 : i32
    %c0_i32_1 = arith.constant 0 : i32
    return %get3A_0, %c0_i32 : i32, i32
  }
  func.func @transform_1(%arg0: i32, %arg1: memref<96xi32, #tpu.memory_space<smem>>, %arg2: memref<96xi32, #tpu.memory_space<smem>>, %arg3: memref<96xi32, #tpu.memory_space<smem>>) -> (i32, i32, i32, i32) {
    %get3A = arith.index_cast %arg0 : i32 to index
    %get3A_0 = memref.load %arg1[%get3A] : memref<96xi32, #tpu.memory_space<smem>>
    %c0_i32 = arith.constant 0 : i32
    %c0_i32_1 = arith.constant 0 : i32
    %c0_i32_2 = arith.constant 0 : i32
    %c0_i32_3 = arith.constant 0 : i32
    return %get3A_0, %c0_i32, %c0_i32_1, %c0_i32_2 : i32, i32, i32, i32
  }
  func.func @transform_2(%arg0: i32, %arg1: memref<96xi32, #tpu.memory_space<smem>>, %arg2: memref<96xi32, #tpu.memory_space<smem>>, %arg3: memref<96xi32, #tpu.memory_space<smem>>) -> (i32, i32, i32, i32) {
    %get3A = arith.index_cast %arg0 : i32 to index
    %get3A_0 = memref.load %arg1[%get3A] : memref<96xi32, #tpu.memory_space<smem>>
    %c1_i32 = arith.constant 1 : i32
    %c0_i32 = arith.constant 0 : i32
    %c0_i32_1 = arith.constant 0 : i32
    %c0_i32_2 = arith.constant 0 : i32
    return %get3A_0, %c1_i32, %c0_i32, %c0_i32_1 : i32, i32, i32, i32
  }
  func.func @transform_3(%arg0: i32, %arg1: memref<96xi32, #tpu.memory_space<smem>>, %arg2: memref<96xi32, #tpu.memory_space<smem>>, %arg3: memref<96xi32, #tpu.memory_space<smem>>) -> (i32, i32, i32) {
    %get3A = arith.index_cast %arg0 : i32 to index
    %get3A_0 = memref.load %arg1[%get3A] : memref<96xi32, #tpu.memory_space<smem>>
    %c0_i32 = arith.constant 0 : i32
    %c0_i32_1 = arith.constant 0 : i32
    %c0_i32_2 = arith.constant 0 : i32
    return %get3A_0, %c0_i32, %c0_i32_1 : i32, i32, i32
  }
  func.func @transform_4(%arg0: i32, %arg1: memref<96xi32, #tpu.memory_space<smem>>, %arg2: memref<96xi32, #tpu.memory_space<smem>>, %arg3: memref<96xi32, #tpu.memory_space<smem>>) -> (i32, i32, i32) {
    %get3A = arith.index_cast %arg0 : i32 to index
    %get3A_0 = memref.load %arg1[%get3A] : memref<96xi32, #tpu.memory_space<smem>>
    %c1_i32 = arith.constant 1 : i32
    %c0_i32 = arith.constant 0 : i32
    %c0_i32_1 = arith.constant 0 : i32
    return %get3A_0, %c1_i32, %c0_i32 : i32, i32, i32
  }
  func.func @transform_5(%arg0: i32, %arg1: memref<96xi32, #tpu.memory_space<smem>>, %arg2: memref<96xi32, #tpu.memory_space<smem>>, %arg3: memref<96xi32, #tpu.memory_space<smem>>) -> (i32, i32) {
    %get3A = arith.index_cast %arg0 : i32 to index
    %get3A_0 = memref.load %arg3[%get3A] : memref<96xi32, #tpu.memory_space<smem>>
    %c0_i32 = arith.constant 0 : i32
    %c0_i32_1 = arith.constant 0 : i32
    return %get3A_0, %c0_i32 : i32, i32
  }
  func.func @transform_6(%arg0: i32, %arg1: memref<96xi32, #tpu.memory_space<smem>>, %arg2: memref<96xi32, #tpu.memory_space<smem>>, %arg3: memref<96xi32, #tpu.memory_space<smem>>) -> (i32, i32) {
    %get3A = arith.index_cast %arg0 : i32 to index
    %get3A_0 = memref.load %arg3[%get3A] : memref<96xi32, #tpu.memory_space<smem>>
    %c0_i32 = arith.constant 0 : i32
    %c0_i32_1 = arith.constant 0 : i32
    return %get3A_0, %c0_i32 : i32, i32
  }
}

</mosaic_0001>

<sc_bundles>
// kernel: kernel.6.cloned.1.call-start
scs
__scs_entry_jumppad:
0x0: {  	(pc) =	sbr.rel $0x88, $3  }
0x1: {  	(tag) =	ssettag $0x0;
	lr =	simm.s32 $0x1  }
0x2: {  	[smem:$0x3F9D] =	sst lr;
	_ =	strace $0xD0000000  }
0x3: {  	_ = 	snop  }
0x4: {  	_ = 	snop  }
0x5: {  	_ = 	snop  }
0x6: {  	_ = 	snop  }
0x7: {  	_ = 	snop  }
__scs_overlays_trampoline_lowered:
0x8: {  	[smem:$0x3FAC] =	sst s0  }
0x9: {  	[smem:$0x3FAD] =	sst s1  }
0xa: {  	[smem:$0x3FAE] =	sst s2  }
0xb: {  	[smem:$0x3FAF] =	sst s3  }
0xc: {  	[smem:$0x3FB0] =	sst s4  }
0xd: {  	[smem:$0x3FB1] =	sst s5  }
0xe: {  	[smem:$0x3FB2] =	sst s6  }
0xf: {  	[smem:$0x3FB3] =	sst s7  }
0x10: {  	[smem:$0x3FB4] =	sst s8  }
0x11: {  	[smem:$0x3FB5] =	sst s9;
	s0 =	simm.s32 @!p0 $0x0  }
0x12: {  	s1 =	sld [smem:$0x3F9B];
	s0 =	simm.s32 @p0 $0x1  }
0x13: {  	[smem:$0x3FB6] =	sst s0;
	s0 =	simm.s32 @!p1 $0x0  }
0x14: {  	s2 =	sld [smem:$0x3F9A];
	s0 =	simm.s32 @p1 $0x1  }
0x15: {  	[smem:$0x3FB7] =	sst s0;
	s0 =	simm.s32 @!p2 $0x0  }
0x16: {  	s3 =	sld [smem:$0x3FDB];
	s0 =	simm.s32 @p2 $0x1  }
0x17: {  	s4 =	simm.s32 $0x1BF5;
	[smem:$0x3FB9] =	sst s0  }
0x18: {  	s0 =	sld [smem:$0x3F9C];
	_ =	swait.ge [sflag:s4], $0x0  }
0x19: {  	s7 =	sld [smem:$0x3F9D]  }
0x1a: {  	s8 =	sadd.s32 $0xFFFFE003, lr  }
0x1b: {  	s9 =	sadd.s32 $0xFFFFFEF7, lr;
	s5 =	simm.s32 $0xFFFFFFFF;
	p2 =	slt.u32 s8, $0xFFFFF086  }
0x1c: {  	p1 =	slt.u32 s9, $0xF7A;
	s5 =	simm.s32 @!p2 $0x0  }
0x1d: {  	s5 =	simm.s32 @p1 $0x1;
	p0 =	seq.s32 s7, s2  }
0x1e: {  	s7 =	smul.u32 @!p0 $0xF7A, s2;
	p2 =	seq.s32 @!p0 s5, $0x0  }
0x1f: {  	s9 =	smul.u32 $0xF7A, s1;
	s8 =	simm.s32 @!p0 $0x1BF5;
	p2 =	por !p2, p0  }
0x20: {  	[sflag:s8] =	ssyncset.s32 @!p0 $0xFFFFF086;
	s6 =	sadd.s32 @!p0 s3, s7;
	s7 =	simm.s32 @!p0 $0x108  }
0x21: {  	s3 =	sadd.s32 s3, s9;
	s6 =	sadd.s32 @!p0 $0x88, s6;
	s7 =	simm.s32 @p2 $0x1082  }
0x22: {  	[simem:s7], [sflag:s8] =	dma.local @!p0 [hbm:s6], $0xF7A  }
0x23: {  	s9 =	sor.u32 $0xD0000000, s2;
	s6 =	simm.s32 $0x108;
	_ =	swait.ge @!p0 [sflag:s8], $0x0  }
0x24: {  	s3 =	sadd.s32 $0x88, s3;
	s6 =	simm.s32 @!p1 $0x1082;
	[sflag:s4] =	ssyncset.s32 $0xFFFFF086  }
0x25: {  	[simem:s6], [sflag:s4] =	dma.local [hbm:s3], $0xF7A  }
0x26: {  	[smem:$0x3F9D] =	sst s1;
	(tag) =	ssettag s2;
	_ =	strace s9  }
0x27: {  	s1 =	sld [smem:$0x3FAD]  }
0x28: {  	s2 =	sld [smem:$0x3FAE]  }
0x29: {  	s4 =	sld [smem:$0x3FB0]  }
0x2a: {  	p0 =	seq.s32 s5, $0x0;
	s5 =	sld [smem:$0x3FB1]  }
0x2b: {  	s6 =	sld [smem:$0x3FB2]  }
0x2c: {  	s7 =	sld [smem:$0x3FB3]  }
0x2d: {  	s3 =	simm.s32 $0x108;
	s8 =	sld [smem:$0x3FB4]  }
0x2e: {  	s3 =	simm.s32 @!p0 $0x1082;
	s9 =	sld [smem:$0x3FB5]  }
0x2f: {  	lr =	sadd.s32 s0, s3;
	s0 =	sld [smem:$0x3FAC]  }
0x30: {  	s3 =	sld [smem:$0x3FAF]  }
0x31: {  	[smem:$0x3FB8] =	sst s10  }
0x32: {  	s10 =	sld [smem:$0x3FB6];
	_ =	sdelay $0x3  }
0x33: {  	p0 =	seq.s32 s10, $0x1;
	s10 =	sld [smem:$0x3FB8];
	_ =	sdelay $0x3  }
0x34: {  	[smem:$0x3FB8] =	sst s10  }
0x35: {  	s10 =	sld [smem:$0x3FB7];
	_ =	sdelay $0x3  }
0x36: {  	p1 =	seq.s32 s10, $0x1;
	s10 =	sld [smem:$0x3FB8];
	_ =	sdelay $0x3  }
0x37: {  	[smem:$0x3FB8] =	sst s10  }
0x38: {  	s10 =	sld [smem:$0x3FB9]  }
0x39: {  	_ = 	snop;
	(pc) =	sbr.ind lr, $3  }
0x3a: {  	_ = 	snop  }
0x3b: {  	_ = 	snop  }
0x3c: {  	p2 =	seq.s32 s10, $0x1;
	s10 =	sld [smem:$0x3FB8]  }
0x3d: {  	_ =	shalt  }
0x3e: {  	_ =	shalt  }
0x3f: {  	_ =	shalt  }
0x40: {  	_ =	shalt  }
0x41: {  	_ =	shalt  }
0x42: {  	_ =	shalt  }
0x43: {  	_ =	shalt  }
0x44: {  	_ =	shalt  }
0x45: {  	_ =	shalt  }
0x46: {  	_ =	shalt  }
0x47: {  	_ =	shalt  }
0x48: {  	_ =	shalt  }
0x49: {  	_ =	shalt  }
0x4a: {  	_ =	shalt  }
0x4b: {  	_ =	shalt  }
0x4c: {  	_ =	shalt  }
0x4d: {  	_ =	shalt  }
0x4e: {  	_ =	shalt  }
0x4f: {  	_ =	shalt  }
0x50: {  	_ =	shalt  }
0x51: {  	_ =	shalt  }
0x52: {  	_ =	shalt  }
0x53: {  	_ =	shalt  }
0x54: {  	_ =	shalt  }
0x55: {  	_ =	shalt  }
0x56: {  	_ =	shalt  }
0x57: {  	_ =	shalt  }
0x58: {  	_ =	shalt  }
0x59: {  	_ =	shalt  }
0x5a: {  	_ =	shalt  }
0x5b: {  	_ =	shalt  }
0x5c: {  	_ =	shalt  }
0x5d: {  	_ =	shalt  }
0x5e: {  	_ =	shalt  }
0x5f: {  	_ =	shalt  }
0x60: {  	_ =	shalt  }
0x61: {  	_ =	shalt  }
0x62: {  	_ =	shalt  }
0x63: {  	_ =	shalt  }
0x64: {  	_ =	shalt  }
0x65: {  	_ =	shalt  }
0x66: {  	_ =	shalt  }
0x67: {  	_ =	shalt  }
0x68: {  	_ =	shalt  }
0x69: {  	_ =	shalt  }
0x6a: {  	_ =	shalt  }
0x6b: {  	_ =	shalt  }
0x6c: {  	_ =	shalt  }
0x6d: {  	_ =	shalt  }
0x6e: {  	_ =	shalt  }
0x6f: {  	_ =	shalt  }
0x70: {  	_ =	shalt  }
0x71: {  	_ =	shalt  }
0x72: {  	_ =	shalt  }
0x73: {  	_ =	shalt  }
0x74: {  	_ =	shalt  }
0x75: {  	_ =	shalt  }
0x76: {  	_ =	shalt  }
0x77: {  	_ =	shalt  }
0x78: {  	_ =	shalt  }
0x79: {  	_ =	shalt  }
0x7a: {  	_ =	shalt  }
0x7b: {  	_ =	shalt  }
0x7c: {  	_ =	shalt  }
0x7d: {  	_ =	shalt  }
0x7e: {  	_ =	shalt  }
0x7f: {  	_ =	shalt  }
0x80: {  	_ =	shalt  }
0x81: {  	_ =	shalt  }
0x82: {  	_ =	shalt  }
0x83: {  	_ =	shalt  }
0x84: {  	_ =	shalt  }
0x85: {  	_ =	shalt  }
0x86: {  	_ =	shalt  }
0x87: {  	_ =	shalt  }
.Lfunc_end0:
.L_simem_size_0:
called_computation_lowered:
.L_overlay_start_0:
0x88: {  	s2 =	sld [smem:$0x3FD9]  }
0x89: {  	s3 =	sld [smem:$0x3FFE];
	_ =	sdelay $0x1  }
0x8a: {  	s1 =	srdreg.scid  }
0x8b: {  	s0 =	sand.u32 $0x1, s1  }
0x8c: {  	s17 =	sshll.u32 s0, $0xA;
	s2 =	sadd.s32 s3, s2  }
0x8d: {  	s2 =	sadd.s32 s2, s17  }
0x8e: {  	[smem:$0x3FC4] =	sst s2  }
0x8f: {  	_ = 	snop  }
0x90: {  	s2 =	sld [smem:$0x3FC9]  }
0x91: {  	s18 =	sld [smem:$0x3FD0];
	(tm) =	ssettm $0x1  }
0x92: {  	s4 =	sld [smem:$0x3FFB];
	_ =	sdelay $0x3  }
0x93: {  	_ =	strace s4  }
0x94: {  	s4 =	sld [smem:$0x3FFC];
	_ =	sdelay $0x3  }
0x95: {  	_ =	strace s4  }
0x96: {  	s4 =	sld [smem:$0x3FFD];
	_ =	sdelay $0x3  }
0x97: {  	_ =	strace s4  }
0x98: {  	_ =	strace $0x8FFFFFFF  }
0x99: {  	s19 =	sld [smem:$0x3FDB];
	_ =	sdelay $0x1  }
0x9a: {  	s5 =	simm.s32 $_scs_section_size  }
0x9b: {  	s6 =	simm.s32 $_size__tile_overlayer_lowered;
	s7 =	simm.s32 $_tile_overlayer_lowered  }
0x9c: {  	s22 =	simm.s32 $0x1BFF;
	s21 =	sshll.u32 s7, $0x1;
	s4 =	sadd.s32 s5, s19  }
0x9d: {  	s8 =	simm.s32 $0x0;
	s20 =	sshll.u32 s6, $0x1;
	s6 =	sadd.s32 s21, s4  }
0x9e: {  	[timem:s8], [sflag:s22] =	dma.local [hbm:s6], s20  }
0x9f: {  	_ =	swait.ge [sflag:s22], s20  }
0xa0: {  	s5 =	ssub.s32 $0x0, s20;
	[sflag:s22] =	ssyncset.done $0x0  }
0xa1: {  	[sflag:s22] =	ssyncadd.s32 s5;
	_ =	sdelay $0x1  }
0xa2: {  	s23 =	simm.s32 $0x1B8B  }
0xa3: {  	_ =	swait.ge [sflag:s23], $0x1  }
0xa4: {  	[sflag:s23] =	ssyncset.done $0x0  }
0xa5: {  	s25 =	simm.s32 $0x1B8E;
	s24 =	sld [smem:$0x3FFE];
	[sflag:s23] =	ssyncadd.s32 $0xFFFFFFFF  }
0xa6: {  	s26 =	simm.s32 $execute0_lowered;
	[smem:$0x3FD2] =	sst s25  }
0xa7: {  	s6 =	sshll.u32 s26, $0x1;
	_ =	strace $0x80000046;
	[dreg:$0x1] =	wrdreg $0xFFFFFFFF  }
0xa8: {  	s28 =	simm.s32 $_size_execute0_lowered;
	s4 =	sadd.s32 s4, s6;
	[dreg:$0x0] =	wrdreg $0x0  }
0xa9: {  	s6 =	sshll.u32 s28, $0x1;
	[dreg:$0x2] =	wrdreg s4  }
0xaa: {  	[dreg:$0x3] =	wrdreg s6  }
0xab: {  	[dreg:$0x4] =	wrdreg $0xC0  }
0xac: {  	_ =	task [dreg:s8], $0x5FFFF  }
0xad: {  	[dreg:$0x1] =	wrdreg $0xFFFFFFFF  }
0xae: {  	[dreg:$0x0] =	wrdreg $0x60  }
0xaf: {  	[dreg:$0x2] =	wrdreg s2  }
0xb0: {  	[dreg:$0x3] =	wrdreg s18  }
0xb1: {  	[dreg:$0x4] =	wrdreg s24  }
0xb2: {  	[dreg:$0x5] =	wrdreg $0x9  }
0xb3: {  	_ =	task.clear_ibuf [dreg:s8], $0x6FFFF;
	_ =	strace $0x90000046  }
0xb4: {  	s29 =	simm.s32 $0x9;
	_ =	strace $0x80000048  }
0xb5: {  	_ =	swait.ge [sflag:s29], $0x1  }
0xb6: {  	[sflag:s29] =	ssyncadd.s32 $0xFFFFFFFF  }
0xb7: {  	_ =	strace $0x90000048  }
0xb8: {  	_ =	sfence  }
0xb9: {  	s30 =	sld [smem:$0x0];
	_ =	sdelay $0x2  }
0xba: {  	s31 =	sshll.u32 s1, $0xD;
	s1 =	sshrl.u32 s1, $0x2  }
0xbb: {  	s3 =	sand.u32 $0x4000, s31;
	s1 =	sadd.s32 s1, s30  }
0xbc: {  	s0 =	sor.u32 s3, s0;
	s1 =	sshll.u32 s1, $0x11  }
0xbd: {  	s0 =	sor.u32 s1, s0  }
0xbe: {  	s0 =	sadd.s32 $0x8F2B, s0  }
0xbf: {  	[sflag:s0] =	ssyncadd.remote.s32 $0x1  }
0xc0: {  	_ =	sfence.sel $0xFFFF  }
0xc1: {  	[dreg:$0x0] =	wrdreg $0xFFFFFFFF;
	(pc) =	sbr.abs _section_cstart, $3  }
0xc2: {  	[dreg:$0x1] =	wrdreg $0xFFFFFFFF  }
0xc3: {  	_ =	task.clear_ibuf [dreg:s8], $0x2FFFF;
	_ =	strace $0x9FFFFFFF  }
0xc4: {  	(tm) =	ssettm $0x7FFFFFFF  }
0xc5: {  	_ =	shalt  }
tec
execute0_lowered:
.L_overlay_start_1:
0x0: {  	(tag) =	ssettag $0x1  }
0x1: {  	s4 =	rddreg [dreg:$0x0];
	s1 =	srdreg.scid  }
0x2: {  	s5 =	rddreg [dreg:$0x1];
	s0 =	stileid.u32;
	s1 =	sand.u32 $0x1, s1  }
0x3: {  	s2 =	rddreg [dreg:$0x2];
	s3 =	sshll.u32 s0, $0x5;
	s6 =	sshll.u32 s1, $0x4  }
0x4: {  	s26 =	sadd.s32 $0x120C00, s2;
	s6 =	sor.u32 s6, s3;
	s3 =	simm.s32 $0x0  }
0x5: {  	[smem:$0x7FF] =	sst s3;
	s23 =	sadd.s32 s6, s2;
	s0 =	sadd.s32 s5, s6  }
0x6: {  	s5 =	sadd.s32 s26, s6;
	_ =	strace $0x80000047;
	[dreg:$0xe] =	wrdreg s0  }
0x7: {  	s24 =	sadd.s32 $0x200, s23;
	[dreg:$0xf] =	wrdreg s5  }
0x8: {  	s25 =	sadd.s32 $0x400, s23;
	[dreg:$0xc] =	wrdreg s24  }
0x9: {  	s23 =	simm.s32 $0x1000;
	[dreg:$0xd] =	wrdreg s25  }
0xa: {  	s7 =	smul.u32 $0x300, s6;
	s0 =	simm.s32 $0x18010;
	[dreg:$0x1b] =	wrdreg s23  }
0xb: {  	s8 =	sor.u32 $0x2, s6;
	s5 =	simm.s32 $0x3800;
	[dreg:$0x1f] =	wrdreg s0  }
0xc: {  	s10 =	sor.u32 $0x4, s6;
	s7 =	sadd.s32 s4, s7;
	[smem:$0x7D5] =	sst s5  }
0xd: {  	s19 =	sor.u32 $0x8, s6;
	s24 =	simm.s32 $0x1800;
	[dreg:$0x4] =	wrdreg s7  }
0xe: {  	s14 =	sor.u32 $0xC, s6;
	s25 =	simm.s32 $0x2000;
	[dreg:$0x1c] =	wrdreg s24  }
0xf: {  	s9 =	smul.u32 $0x300, s8;
	s23 =	simm.s32 $0xC800;
	[dreg:$0x1d] =	wrdreg s25  }
0x10: {  	s11 =	smul.u32 $0x300, s10;
	s0 =	simm.s32 $0xE000;
	[smem:$0x7E7] =	sst s23  }
0x11: {  	s12 =	smul.u32 $0x300, s19;
	s16 =	sadd.s32 s4, s9;
	[smem:$0x7EA] =	sst s0  }
0x12: {  	s15 =	smul.u32 $0x300, s14;
	s17 =	sadd.s32 s4, s11;
	[dreg:$0x5] =	wrdreg s16  }
0x13: {  	s12 =	sadd.s32 s4, s12;
	[dreg:$0x6] =	wrdreg s17  }
0x14: {  	s13 =	sor.u32 $0xA, s6;
	s22 =	sadd.s32 s4, s15;
	[dreg:$0x8] =	wrdreg s12  }
0x15: {  	s15 =	sadd.s32 s26, s13;
	[dreg:$0xa] =	wrdreg s22  }
0x16: {  	s7 =	simm.s32 $0x4800;
	[dreg:$0x14] =	wrdreg s15  }
0x17: {  	s20 =	smul.u32 $0x300, s13;
	s13 =	simm.s32 $0x7800;
	[smem:$0x7D7] =	sst s7  }
0x18: {  	s24 =	simm.s32 $0xD000;
	[smem:$0x7DD] =	sst s13  }
0x19: {  	s25 =	simm.s32 $0xD800;
	[smem:$0x7E8] =	sst s24  }
0x1a: {  	s9 =	sor.u32 $0x6, s6;
	s23 =	simm.s32 $0x16000;
	[smem:$0x7E9] =	sst s25  }
0x1b: {  	s16 =	sor.u32 $0xE, s6;
	s6 =	sadd.s32 s26, s8;
	[smem:$0x7FA] =	sst s23  }
0x1c: {  	s8 =	sadd.s32 s26, s10;
	[dreg:$0x10] =	wrdreg s6  }
0x1d: {  	s10 =	sadd.s32 s26, s9;
	[dreg:$0x11] =	wrdreg s8  }
0x1e: {  	s12 =	sadd.s32 s26, s19;
	[dreg:$0x12] =	wrdreg s10  }
0x1f: {  	s17 =	sadd.s32 s26, s14;
	[dreg:$0x13] =	wrdreg s12  }
0x20: {  	s19 =	simm.s32 $0x18100;
	[dreg:$0x15] =	wrdreg s17  }
0x21: {  	s22 =	simm.s32 $0x800;
	[dreg:$0x17] =	wrdreg s19  }
0x22: {  	s18 =	smul.u32 $0x300, s9;
	s9 =	simm.s32 $0x5800;
	[dreg:$0x1a] =	wrdreg s22  }
0x23: {  	s14 =	simm.s32 $0x8000;
	[smem:$0x7D9] =	sst s9  }
0x24: {  	s15 =	simm.s32 $0x8800;
	[smem:$0x7DE] =	sst s14  }
0x25: {  	s13 =	simm.s32 $0x11000;
	[smem:$0x7DF] =	sst s15  }
0x26: {  	s24 =	simm.s32 $0x16800;
	[smem:$0x7F0] =	sst s13  }
0x27: {  	s25 =	simm.s32 $0x17000;
	[smem:$0x7FB] =	sst s24  }
0x28: {  	s6 =	simm.s32 $0x4000;
	[smem:$0x7FC] =	sst s25  }
0x29: {  	s8 =	simm.s32 $0x5000;
	[smem:$0x7D6] =	sst s6  }
0x2a: {  	s10 =	simm.s32 $0x18020;
	[smem:$0x7D8] =	sst s8  }
0x2b: {  	s12 =	simm.s32 $0x7000;
	[smem:$0x7DA] =	sst s10  }
0x2c: {  	s17 =	simm.s32 $0x9800;
	[smem:$0x7DC] =	sst s12  }
0x2d: {  	s19 =	simm.s32 $0xA800;
	[smem:$0x7E1] =	sst s17  }
0x2e: {  	s22 =	simm.s32 $0x18040;
	[smem:$0x7E3] =	sst s19  }
0x2f: {  	s9 =	simm.s32 $0x18050;
	[smem:$0x7E6] =	sst s22  }
0x30: {  	s28 =	simm.s32 $0x4;
	s14 =	simm.s32 $0x11800;
	[smem:$0x7EC] =	sst s9  }
0x31: {  	s29 =	simm.s32 $0x10;
	s15 =	simm.s32 $0x18060;
	[smem:$0x7F1] =	sst s14  }
0x32: {  	s30 =	simm.s32 $0x1;
	s11 =	sadd.s32 s4, s18;
	[smem:$0x7F2] =	sst s15  }
0x33: {  	s31 =	simm.s32 $0x5;
	s18 =	sadd.s32 s26, s16;
	[dreg:$0x7] =	wrdreg s11  }
0x34: {  	s1 =	ssub.s32 $0x2, s1;
	s26 =	simm.s32 $0x2800;
	[dreg:$0x16] =	wrdreg s18  }
0x35: {  	s21 =	smul.u32 $0x300, s16;
	s16 =	simm.s32 $0x18030;
	[dreg:$0x1e] =	wrdreg s26  }
0x36: {  	s5 =	sadd.s32 $0x600, s2;
	s8 =	simm.s32 $0xE800;
	[smem:$0x7E0] =	sst s16  }
0x37: {  	s7 =	sadd.s32 $0xE00, s2;
	s10 =	simm.s32 $0xF800;
	[smem:$0x7EB] =	sst s8  }
0x38: {  	s23 =	simm.s32 $0x18400;
	s12 =	simm.s32 $0x10800;
	[smem:$0x7ED] =	sst s10  }
0x39: {  	s24 =	simm.s32 $0x18480;
	s17 =	simm.s32 $0x13000;
	[smem:$0x7EF] =	sst s12  }
0x3a: {  	s25 =	simm.s32 $0x18500;
	s19 =	simm.s32 $0x14000;
	[smem:$0x7F4] =	sst s17  }
0x3b: {  	s13 =	simm.s32 $0xC000;
	s22 =	simm.s32 $0x15800;
	[smem:$0x7F6] =	sst s19  }
0x3c: {  	s6 =	sadd.s32 $0xD00, s2;
	s11 =	sadd.s32 s4, s20;
	[smem:$0x7F9] =	sst s22  }
0x3d: {  	s14 =	simm.s32 $0xF000;
	s4 =	sadd.s32 s4, s21;
	[dreg:$0x9] =	wrdreg s11  }
0x3e: {  	s15 =	simm.s32 $0x12000;
	s20 =	simm.s32 $0x80;
	[dreg:$0xb] =	wrdreg s4  }
0x3f: {  	s21 =	simm.s32 $0x18180;
	s18 =	simm.s32 $0xA000;
	[dreg:$0x18] =	wrdreg s20  }
0x40: {  	s26 =	sshrl.u32 s1, $0x1;
	s16 =	simm.s32 $0x12800;
	[dreg:$0x19] =	wrdreg s21  }
0x41: {  	s22 =	simm.s32 $0x18380;
	s10 =	simm.s32 $0x3000;
	[smem:$0x7E2] =	sst s18  }
0x42: {  	s12 =	simm.s32 $0x9000;
	s11 =	simm.s32 $0x6800;
	[smem:$0x7F3] =	sst s16  }
0x43: {  	s17 =	simm.s32 $0x18080;
	s20 =	simm.s32 $0xB000;
	[smem:$0x7DB] =	sst s11  }
0x44: {  	s19 =	simm.s32 $0x18000;
	s21 =	simm.s32 $0xB800;
	[smem:$0x7E4] =	sst s20  }
0x45: {  	s4 =	sadd.s32 $0xC00, s2;
	s18 =	simm.s32 $0x13800;
	[smem:$0x7E5] =	sst s21  }
0x46: {  	s1 =	ssub.s32 s1, s26;
	s26 =	simm.s32 $0x17800;
	[smem:$0x7F5] =	sst s18  }
0x47: {  	s16 =	simm.s32 $0x15000;
	s11 =	simm.s32 $0x10000;
	[smem:$0x7FD] =	sst s26  }
0x48: {  	s8 =	smax.u32 s1, $0x1;
	s20 =	simm.s32 $0x14800;
	[smem:$0x7EE] =	sst s11  }
0x49: {  	v2 =	vlaneseq.u32;
	s18 =	simm.s32 $0x2;
	s21 =	simm.s32 $0x18070;
	[smem:$0x7F7] =	sst s20  }
0x4a: {  	vm0 =	vmmov $0xffff;
	v1 =	vshrl.u32 v2, $0x3;
	s26 =	simm.s32 $0x18580;
	s1 =	simm.s32 $0x3;
	[smem:$0x7F8] =	sst s21  }
0x4b: {  	v0 =	vand.u32 $0x7, v2;
	v2 =	vor.u32 $0x8, v2;
	v1 =	vmul.u32 $0x8, v1;
	s20 =	simm.s32 $0x18280;
	s21 =	simm.s32 $0x18300;
	s11 =	simm.s32 $0x6000  }
.LBB2_1:
0x4c: {  	s0 =	rddreg [dreg:$0x4]  }
0x4d: {  	s2 =	rddreg [dreg:$0x5]  }
0x4e: {  	[tilespmem:s3], [sflag:$0x1] =	stream.linear.gather [hbm4b:s0+s3], $0x3000, $0x38;
	[tilespmem:$0x18600] =	vst v63  }
0x4f: {  	s9 =	rddreg [dreg:$0x7]  }
0x50: {  	[tilespmem:s10], [sflag:$0x1] =	stream.linear.gather [hbm4b:s2+s3], $0x3000, $0x38;
	[tilespmem:$0x18600] =	vst v63  }
0x51: {  	s0 =	rddreg [dreg:$0x6]  }
0x52: {  	[tilespmem:s11], [sflag:$0x1] =	stream.linear.gather [hbm4b:s0+s3], $0x3000, $0x38;
	[tilespmem:$0x18600] =	vst v63  }
0x53: {  	s2 =	rddreg [dreg:$0xd]  }
0x54: {  	[tilespmem:s12], [sflag:$0x1] =	stream.linear.gather [hbm4b:s9+s3], $0x3000, $0x38;
	[tilespmem:$0x18600] =	vst v63  }
0x55: {  	s0 =	rddreg [dreg:$0x8]  }
0x56: {  	[tilespmem:s13], [sflag:$0x1] =	stream.linear.gather [hbm4b:s0+s3], $0x3000, $0x38;
	[tilespmem:$0x18600] =	vst v63  }
0x57: {  	s9 =	rddreg [dreg:$0x9]  }
0x58: {  	[tilespmem:s14], [sflag:$0x1] =	stream.linear.gather [hbm4b:s9+s3], $0x3000, $0x38;
	[tilespmem:$0x18600] =	vst v63  }
0x59: {  	s0 =	rddreg [dreg:$0xa]  }
0x5a: {  	[tilespmem:s15], [sflag:$0x1] =	stream.linear.gather [hbm4b:s0+s3], $0x3000, $0x38;
	[tilespmem:$0x18600] =	vst v63  }
0x5b: {  	s9 =	rddreg [dreg:$0xb]  }
0x5c: {  	[tilespmem:s16], [sflag:$0x1] =	stream.linear.gather [hbm4b:s9+s3], $0x3000, $0x38;
	[tilespmem:$0x18600] =	vst v63  }
0x5d: {  	s0 =	rddreg [dreg:$0xc]  }
0x5e: {  	[tilespmem:s17], [sflag:$0x2] =	stream.linear.gather [hbm4b:s0+s3], $0x80, $0x38;
	[tilespmem:$0x18600] =	vst v63  }
0x5f: {  	s9 =	rddreg [dreg:$0x17]  }
0x60: {  	[tilespmem:s9], [sflag:$0x2] =	stream.linear.gather [hbm4b:s2+s3], $0x80, $0x38;
	[tilespmem:$0x18600] =	vst v63  }
0x61: {  	s0 =	rddreg [dreg:$0xe]  }
0x62: {  	[tilespmem:s19], [sflag:$0x4] =	stream.linear.gather [hbm4b:s0+s3], $0x80, $0x38;
	[tilespmem:$0x18600] =	vst v63  }
0x63: {  	_ =	swait.ge [sflag:s18], $0x80  }
0x64: {  	s0 =	rddreg [dreg:$0x18];
	[sflag:s18] =	ssyncset.done $0x0  }
0x65: {  	s2 =	rddreg [dreg:$0x19];
	[sflag:s18] =	ssyncadd.s32 $0xFFFFFF80  }
0x66: {  	s9 =	rddreg [dreg:$0x2]  }
0x67: {  	[tilespmem:s2], [sflag:$0x2] =	stream.indirect.gather [hbm4b:s9+s0], $0x1, s17, s0, $0xb8;
	[tilespmem:$0x18600] =	vst v63  }
0x68: {  	_ =	swait.ge [sflag:s18], $0x80  }
0x69: {  	[sflag:s18] =	ssyncset.done $0x0  }
0x6a: {  	[sflag:s18] =	ssyncadd.s32 $0xFFFFFF80  }
0x6b: {  	_ =	swait.ge [sflag:s18], $0x80  }
0x6c: {  	[sflag:s18] =	ssyncset.done $0x0  }
0x6d: {  	[sflag:s18] =	ssyncadd.s32 $0xFFFFFF80  }
0x6e: {  	v3 =	vld [tilespmem:$0x18180]  }
0x6f: {  	v4 =	vld [tilespmem:$0x18100]  }
0x70: {  	v5 =	vld [tilespmem:$0x18190]  }
0x71: {  	v6 =	vld [tilespmem:$0x18110]  }
0x72: {  	v7 =	vld [tilespmem:$0x181A0]  }
0x73: {  	v8 =	vld [tilespmem:$0x18120]  }
0x74: {  	v9 =	vld [tilespmem:$0x181B0]  }
0x75: {  	v10 =	vld [tilespmem:$0x18130]  }
0x76: {  	v11 =	vld [tilespmem:$0x181C0]  }
0x77: {  	v12 =	vld [tilespmem:$0x18140]  }
0x78: {  	v13 =	vld [tilespmem:$0x181D0]  }
0x79: {  	v14 =	vld [tilespmem:$0x18150]  }
0x7a: {  	v15 =	vld [tilespmem:$0x181E0]  }
0x7b: {  	v53 =	vld [tilespmem:$0x18160];
	v3 =	vadd.s32 v3, v4  }
0x7c: {  	v54 =	vld [tilespmem:$0x181F0];
	[tilespmem:$0x18200] =	vst v3;
	v3 =	vadd.s32 v5, v6  }
0x7d: {  	v55 =	vld [tilespmem:$0x18170];
	[tilespmem:$0x18280] =	vst v3;
	v3 =	vadd.s32 v7, v8  }
0x7e: {  	[tilespmem:$0x18300] =	vst v3;
	v3 =	vadd.s32 v9, v10  }
0x7f: {  	[tilespmem:$0x18380] =	vst v3;
	v3 =	vadd.s32 v11, v12  }
0x80: {  	[tilespmem:$0x18400] =	vst v3;
	v3 =	vadd.s32 v13, v14  }
0x81: {  	[tilespmem:$0x18480] =	vst v3;
	v3 =	vadd.s32 v15, v53  }
0x82: {  	[tilespmem:$0x18500] =	vst v3;
	v3 =	vadd.s32 v54, v55  }
0x83: {  	s9 =	simm.s32 $0x18200;
	s0 =	rddreg [dreg:$0xf];
	[tilespmem:$0x18580] =	vst v3  }
0x84: {  	[hbm4b:s0+s3] =	stream.linear.scatter [tilespmem:s9], [sflag:$0x5], $0x10, $0x38;
	[tilespmem:$0x18600] =	vst v63  }
0x85: {  	s2 =	rddreg [dreg:$0x10]  }
0x86: {  	[hbm4b:s2+s3] =	stream.linear.scatter [tilespmem:s20], [sflag:$0x5], $0x10, $0x38;
	[tilespmem:$0x18600] =	vst v63  }
0x87: {  	s0 =	rddreg [dreg:$0x11]  }
0x88: {  	[hbm4b:s0+s3] =	stream.linear.scatter [tilespmem:s21], [sflag:$0x5], $0x10, $0x38;
	[tilespmem:$0x18600] =	vst v63  }
0x89: {  	s2 =	rddreg [dreg:$0x12]  }
0x8a: {  	[hbm4b:s2+s3] =	stream.linear.scatter [tilespmem:s22], [sflag:$0x5], $0x10, $0x38;
	[tilespmem:$0x18600] =	vst v63  }
0x8b: {  	s0 =	rddreg [dreg:$0x13]  }
0x8c: {  	[hbm4b:s0+s3] =	stream.linear.scatter [tilespmem:s23], [sflag:$0x5], $0x10, $0x38;
	[tilespmem:$0x18600] =	vst v63  }
0x8d: {  	s2 =	rddreg [dreg:$0x14]  }
0x8e: {  	[hbm4b:s2+s3] =	stream.linear.scatter [tilespmem:s24], [sflag:$0x5], $0x10, $0x38;
	[tilespmem:$0x18600] =	vst v63  }
0x8f: {  	s0 =	rddreg [dreg:$0x15]  }
0x90: {  	[hbm4b:s0+s3] =	stream.linear.scatter [tilespmem:s25], [sflag:$0x5], $0x10, $0x38;
	[tilespmem:$0x18600] =	vst v63  }
0x91: {  	s2 =	rddreg [dreg:$0x16]  }
0x92: {  	[hbm4b:s2+s3] =	stream.linear.scatter [tilespmem:s26], [sflag:$0x5], $0x10, $0x38;
	[tilespmem:$0x18600] =	vst v63  }
0x93: {  	_ =	swait.ge [sflag:s28], $0x80  }
0x94: {  	[sflag:s28] =	ssyncset.done $0x0  }
0x95: {  	[sflag:s28] =	ssyncadd.s32 $0xFFFFFF80  }
0x96: {  	[hbm4b:s5+s29] =	stream.indirect.scatter [tilespmem:s19], [sflag:$0x4], $0x1, s9, s29, $0xb8;
	[tilespmem:$0x18600] =	vst v63  }
0x97: {  	_ =	swait.ge [sflag:s30], $0x3000  }
0x98: {  	[sflag:s30] =	ssyncset.done $0x0  }
0x99: {  	[sflag:s30] =	ssyncadd.s32 $0xFFFFD000  }
0x9a: {  	v3 =	vld [tilespmem:$0x18200];
	_ =	sdelay $0x4  }
0x9b: {  	v56 =	vshrl.u32 v3, $0x3  }
0x9c: {  	v4 =	vmul.u32 $0x30, v56  }
0x9d: {  	v3 =	vand.u32 $0x7, v3  }
0x9e: {  	v3 =	vor.u32 v3, v4  }
0x9f: {  	v4 =	vperm.xlane v3, v0;
	_ =	sdelay $0x1  }
0xa0: {  	v4 =	vadd.s32 v1, v4;
	_ =	sdelay $0x3  }
0xa1: {  	v3 =	vperm.xlane v3, v2  }
0xa2: {  	[hbm4b:s4+s3] =	stream.indirect_vreg.scatter [tilespmem:s3], [sflag:$0x3], $0x80, v4, vm0, $0xb8;
	[tilespmem:$0x18600] =	vst v63  }
0xa3: {  	s2 =	rddreg [dreg:$0x1a];
	v3 =	vadd.s32 v1, v3  }
0xa4: {  	[hbm4b:s6+s3] =	stream.indirect_vreg.scatter [tilespmem:s2], [sflag:$0x3], $0x80, v4, vm0, $0xb8;
	[tilespmem:$0x18600] =	vst v63  }
0xa5: {  	s9 =	rddreg [dreg:$0x1b]  }
0xa6: {  	[hbm4b:s7+s3] =	stream.indirect_vreg.scatter [tilespmem:s9], [sflag:$0x3], $0x80, v4, vm0, $0xb8;
	[tilespmem:$0x18600] =	vst v63  }
0xa7: {  	s0 =	rddreg [dreg:$0x1c]  }
0xa8: {  	[hbm4b:s4+s3] =	stream.indirect_vreg.scatter [tilespmem:s0], [sflag:$0x3], $0x80, v3, vm0, $0xb8;
	[tilespmem:$0x18600] =	vst v63  }
0xa9: {  	s9 =	rddreg [dreg:$0x1d]  }
0xaa: {  	[hbm4b:s6+s3] =	stream.indirect_vreg.scatter [tilespmem:s9], [sflag:$0x3], $0x80, v3, vm0, $0xb8;
	[tilespmem:$0x18600] =	vst v63  }
0xab: {  	s0 =	rddreg [dreg:$0x1e]  }
0xac: {  	[hbm4b:s7+s3] =	stream.indirect_vreg.scatter [tilespmem:s0], [sflag:$0x3], $0x80, v3, vm0, $0xb8;
	[tilespmem:$0x18600] =	vst v63  }
0xad: {  	s9 =	rddreg [dreg:$0x1f]  }
0xae: {  	[hbm4b:s5+s29] =	stream.indirect.scatter [tilespmem:s9], [sflag:$0x4], $0x1, s20, s29, $0xb8;
	[tilespmem:$0x18600] =	vst v63  }
0xaf: {  	_ =	swait.ge [sflag:s30], $0x3000  }
0xb0: {  	[sflag:s30] =	ssyncset.done $0x0  }
0xb1: {  	[sflag:s30] =	ssyncadd.s32 $0xFFFFD000  }
0xb2: {  	v3 =	vld [tilespmem:$0x18280];
	_ =	sdelay $0x4  }
0xb3: {  	v57 =	vshrl.u32 v3, $0x3  }
0xb4: {  	v4 =	vmul.u32 $0x30, v57  }
0xb5: {  	v3 =	vand.u32 $0x7, v3  }
0xb6: {  	v3 =	vor.u32 v3, v4  }
0xb7: {  	v4 =	vperm.xlane v3, v0;
	_ =	sdelay $0x1  }
0xb8: {  	v4 =	vadd.s32 v1, v4;
	_ =	sdelay $0x3  }
0xb9: {  	s2 =	sld [smem:$0x7D5];
	v3 =	vperm.xlane v3, v2  }
0xba: {  	[hbm4b:s4+s3] =	stream.indirect_vreg.scatter [tilespmem:s10], [sflag:$0x3], $0x80, v4, vm0, $0xb8;
	[tilespmem:$0x18600] =	vst v63  }
0xbb: {  	s9 =	sld [smem:$0x7D6];
	v3 =	vadd.s32 v1, v3  }
0xbc: {  	[hbm4b:s6+s3] =	stream.indirect_vreg.scatter [tilespmem:s2], [sflag:$0x3], $0x80, v4, vm0, $0xb8;
	[tilespmem:$0x18600] =	vst v63  }
0xbd: {  	s0 =	sld [smem:$0x7D7]  }
0xbe: {  	[hbm4b:s7+s3] =	stream.indirect_vreg.scatter [tilespmem:s9], [sflag:$0x3], $0x80, v4, vm0, $0xb8;
	[tilespmem:$0x18600] =	vst v63  }
0xbf: {  	s9 =	sld [smem:$0x7D8]  }
0xc0: {  	[hbm4b:s4+s3] =	stream.indirect_vreg.scatter [tilespmem:s0], [sflag:$0x3], $0x80, v3, vm0, $0xb8;
	[tilespmem:$0x18600] =	vst v63  }
0xc1: {  	s0 =	sld [smem:$0x7D9]  }
0xc2: {  	[hbm4b:s6+s3] =	stream.indirect_vreg.scatter [tilespmem:s9], [sflag:$0x3], $0x80, v3, vm0, $0xb8;
	[tilespmem:$0x18600] =	vst v63  }
0xc3: {  	s9 =	sld [smem:$0x7DA]  }
0xc4: {  	[hbm4b:s7+s3] =	stream.indirect_vreg.scatter [tilespmem:s0], [sflag:$0x3], $0x80, v3, vm0, $0xb8;
	[tilespmem:$0x18600] =	vst v63  }
0xc5: {  	_ = 	snop  }
0xc6: {  	[hbm4b:s5+s29] =	stream.indirect.scatter [tilespmem:s9], [sflag:$0x4], $0x1, s21, s29, $0xb8;
	[tilespmem:$0x18600] =	vst v63  }
0xc7: {  	_ =	swait.ge [sflag:s30], $0x3000  }
0xc8: {  	[sflag:s30] =	ssyncset.done $0x0  }
0xc9: {  	[sflag:s30] =	ssyncadd.s32 $0xFFFFD000  }
0xca: {  	v3 =	vld [tilespmem:$0x18300];
	_ =	sdelay $0x4  }
0xcb: {  	v58 =	vshrl.u32 v3, $0x3  }
0xcc: {  	v4 =	vmul.u32 $0x30, v58  }
0xcd: {  	v3 =	vand.u32 $0x7, v3  }
0xce: {  	v3 =	vor.u32 v3, v4  }
0xcf: {  	v4 =	vperm.xlane v3, v0;
	_ =	sdelay $0x1  }
0xd0: {  	v4 =	vadd.s32 v1, v4;
	_ =	sdelay $0x3  }
0xd1: {  	s2 =	sld [smem:$0x7DB];
	v3 =	vperm.xlane v3, v2  }
0xd2: {  	[hbm4b:s4+s3] =	stream.indirect_vreg.scatter [tilespmem:s11], [sflag:$0x3], $0x80, v4, vm0, $0xb8;
	[tilespmem:$0x18600] =	vst v63  }
0xd3: {  	s9 =	sld [smem:$0x7DC];
	v3 =	vadd.s32 v1, v3  }
0xd4: {  	[hbm4b:s6+s3] =	stream.indirect_vreg.scatter [tilespmem:s2], [sflag:$0x3], $0x80, v4, vm0, $0xb8;
	[tilespmem:$0x18600] =	vst v63  }
0xd5: {  	s0 =	sld [smem:$0x7DD]  }
0xd6: {  	[hbm4b:s7+s3] =	stream.indirect_vreg.scatter [tilespmem:s9], [sflag:$0x3], $0x80, v4, vm0, $0xb8;
	[tilespmem:$0x18600] =	vst v63  }
0xd7: {  	s9 =	sld [smem:$0x7DE]  }
0xd8: {  	[hbm4b:s4+s3] =	stream.indirect_vreg.scatter [tilespmem:s0], [sflag:$0x3], $0x80, v3, vm0, $0xb8;
	[tilespmem:$0x18600] =	vst v63  }
0xd9: {  	s0 =	sld [smem:$0x7DF]  }
0xda: {  	[hbm4b:s6+s3] =	stream.indirect_vreg.scatter [tilespmem:s9], [sflag:$0x3], $0x80, v3, vm0, $0xb8;
	[tilespmem:$0x18600] =	vst v63  }
0xdb: {  	s9 =	sld [smem:$0x7E0]  }
0xdc: {  	[hbm4b:s7+s3] =	stream.indirect_vreg.scatter [tilespmem:s0], [sflag:$0x3], $0x80, v3, vm0, $0xb8;
	[tilespmem:$0x18600] =	vst v63  }
0xdd: {  	_ = 	snop  }
0xde: {  	[hbm4b:s5+s29] =	stream.indirect.scatter [tilespmem:s9], [sflag:$0x4], $0x1, s22, s29, $0xb8;
	[tilespmem:$0x18600] =	vst v63  }
0xdf: {  	_ =	swait.ge [sflag:s30], $0x3000  }
0xe0: {  	[sflag:s30] =	ssyncset.done $0x0  }
0xe1: {  	[sflag:s30] =	ssyncadd.s32 $0xFFFFD000  }
0xe2: {  	v3 =	vld [tilespmem:$0x18380];
	_ =	sdelay $0x4  }
0xe3: {  	v59 =	vshrl.u32 v3, $0x3  }
0xe4: {  	v4 =	vmul.u32 $0x30, v59  }
0xe5: {  	v3 =	vand.u32 $0x7, v3  }
0xe6: {  	v3 =	vor.u32 v3, v4  }
0xe7: {  	v4 =	vperm.xlane v3, v0;
	_ =	sdelay $0x1  }
0xe8: {  	v4 =	vadd.s32 v1, v4;
	_ =	sdelay $0x3  }
0xe9: {  	s2 =	sld [smem:$0x7E1];
	v3 =	vperm.xlane v3, v2  }
0xea: {  	[hbm4b:s4+s3] =	stream.indirect_vreg.scatter [tilespmem:s12], [sflag:$0x3], $0x80, v4, vm0, $0xb8;
	[tilespmem:$0x18600] =	vst v63  }
0xeb: {  	s9 =	sld [smem:$0x7E2];
	v3 =	vadd.s32 v1, v3  }
0xec: {  	[hbm4b:s6+s3] =	stream.indirect_vreg.scatter [tilespmem:s2], [sflag:$0x3], $0x80, v4, vm0, $0xb8;
	[tilespmem:$0x18600] =	vst v63  }
0xed: {  	s0 =	sld [smem:$0x7E3]  }
0xee: {  	[hbm4b:s7+s3] =	stream.indirect_vreg.scatter [tilespmem:s9], [sflag:$0x3], $0x80, v4, vm0, $0xb8;
	[tilespmem:$0x18600] =	vst v63  }
0xef: {  	s9 =	sld [smem:$0x7E4]  }
0xf0: {  	[hbm4b:s4+s3] =	stream.indirect_vreg.scatter [tilespmem:s0], [sflag:$0x3], $0x80, v3, vm0, $0xb8;
	[tilespmem:$0x18600] =	vst v63  }
0xf1: {  	s0 =	sld [smem:$0x7E5]  }
0xf2: {  	[hbm4b:s6+s3] =	stream.indirect_vreg.scatter [tilespmem:s9], [sflag:$0x3], $0x80, v3, vm0, $0xb8;
	[tilespmem:$0x18600] =	vst v63  }
0xf3: {  	s9 =	sld [smem:$0x7E6]  }
0xf4: {  	[hbm4b:s7+s3] =	stream.indirect_vreg.scatter [tilespmem:s0], [sflag:$0x3], $0x80, v3, vm0, $0xb8;
	[tilespmem:$0x18600] =	vst v63  }
0xf5: {  	_ = 	snop  }
0xf6: {  	[hbm4b:s5+s29] =	stream.indirect.scatter [tilespmem:s9], [sflag:$0x4], $0x1, s23, s29, $0xb8;
	[tilespmem:$0x18600] =	vst v63  }
0xf7: {  	_ =	swait.ge [sflag:s30], $0x3000  }
0xf8: {  	[sflag:s30] =	ssyncset.done $0x0  }
0xf9: {  	[sflag:s30] =	ssyncadd.s32 $0xFFFFD000  }
0xfa: {  	v3 =	vld [tilespmem:$0x18400];
	_ =	sdelay $0x4  }
0xfb: {  	v60 =	vshrl.u32 v3, $0x3  }
0xfc: {  	v4 =	vmul.u32 $0x30, v60  }
0xfd: {  	v3 =	vand.u32 $0x7, v3  }
0xfe: {  	v3 =	vor.u32 v3, v4  }
0xff: {  	v4 =	vperm.xlane v3, v0;
	_ =	sdelay $0x1  }
0x100: {  	v4 =	vadd.s32 v1, v4;
	_ =	sdelay $0x3  }
0x101: {  	s2 =	sld [smem:$0x7E7];
	v3 =	vperm.xlane v3, v2  }
0x102: {  	[hbm4b:s4+s3] =	stream.indirect_vreg.scatter [tilespmem:s13], [sflag:$0x3], $0x80, v4, vm0, $0xb8;
	[tilespmem:$0x18600] =	vst v63  }
0x103: {  	s9 =	sld [smem:$0x7E8];
	v3 =	vadd.s32 v1, v3  }
0x104: {  	[hbm4b:s6+s3] =	stream.indirect_vreg.scatter [tilespmem:s2], [sflag:$0x3], $0x80, v4, vm0, $0xb8;
	[tilespmem:$0x18600] =	vst v63  }
0x105: {  	s0 =	sld [smem:$0x7E9]  }
0x106: {  	[hbm4b:s7+s3] =	stream.indirect_vreg.scatter [tilespmem:s9], [sflag:$0x3], $0x80, v4, vm0, $0xb8;
	[tilespmem:$0x18600] =	vst v63  }
0x107: {  	s9 =	sld [smem:$0x7EA]  }
0x108: {  	[hbm4b:s4+s3] =	stream.indirect_vreg.scatter [tilespmem:s0], [sflag:$0x3], $0x80, v3, vm0, $0xb8;
	[tilespmem:$0x18600] =	vst v63  }
0x109: {  	s0 =	sld [smem:$0x7EB]  }
0x10a: {  	[hbm4b:s6+s3] =	stream.indirect_vreg.scatter [tilespmem:s9], [sflag:$0x3], $0x80, v3, vm0, $0xb8;
	[tilespmem:$0x18600] =	vst v63  }
0x10b: {  	s9 =	sld [smem:$0x7EC]  }
0x10c: {  	[hbm4b:s7+s3] =	stream.indirect_vreg.scatter [tilespmem:s0], [sflag:$0x3], $0x80, v3, vm0, $0xb8;
	[tilespmem:$0x18600] =	vst v63  }
0x10d: {  	_ = 	snop  }
0x10e: {  	[hbm4b:s5+s29] =	stream.indirect.scatter [tilespmem:s9], [sflag:$0x4], $0x1, s24, s29, $0xb8;
	[tilespmem:$0x18600] =	vst v63  }
0x10f: {  	_ =	swait.ge [sflag:s30], $0x3000  }
0x110: {  	[sflag:s30] =	ssyncset.done $0x0  }
0x111: {  	[sflag:s30] =	ssyncadd.s32 $0xFFFFD000  }
0x112: {  	v3 =	vld [tilespmem:$0x18480];
	_ =	sdelay $0x4  }
0x113: {  	v61 =	vshrl.u32 v3, $0x3  }
0x114: {  	v4 =	vmul.u32 $0x30, v61  }
0x115: {  	v3 =	vand.u32 $0x7, v3  }
0x116: {  	v3 =	vor.u32 v3, v4  }
0x117: {  	v4 =	vperm.xlane v3, v0;
	_ =	sdelay $0x1  }
0x118: {  	v4 =	vadd.s32 v1, v4;
	_ =	sdelay $0x3  }
0x119: {  	s2 =	sld [smem:$0x7ED];
	v3 =	vperm.xlane v3, v2  }
0x11a: {  	[hbm4b:s4+s3] =	stream.indirect_vreg.scatter [tilespmem:s14], [sflag:$0x3], $0x80, v4, vm0, $0xb8;
	[tilespmem:$0x18600] =	vst v63  }
0x11b: {  	s9 =	sld [smem:$0x7EE];
	v3 =	vadd.s32 v1, v3  }
0x11c: {  	[hbm4b:s6+s3] =	stream.indirect_vreg.scatter [tilespmem:s2], [sflag:$0x3], $0x80, v4, vm0, $0xb8;
	[tilespmem:$0x18600] =	vst v63  }
0x11d: {  	s0 =	sld [smem:$0x7EF]  }
0x11e: {  	[hbm4b:s7+s3] =	stream.indirect_vreg.scatter [tilespmem:s9], [sflag:$0x3], $0x80, v4, vm0, $0xb8;
	[tilespmem:$0x18600] =	vst v63  }
0x11f: {  	s9 =	sld [smem:$0x7F0]  }
0x120: {  	[hbm4b:s4+s3] =	stream.indirect_vreg.scatter [tilespmem:s0], [sflag:$0x3], $0x80, v3, vm0, $0xb8;
	[tilespmem:$0x18600] =	vst v63  }
0x121: {  	s0 =	sld [smem:$0x7F1]  }
0x122: {  	[hbm4b:s6+s3] =	stream.indirect_vreg.scatter [tilespmem:s9], [sflag:$0x3], $0x80, v3, vm0, $0xb8;
	[tilespmem:$0x18600] =	vst v63  }
0x123: {  	s9 =	sld [smem:$0x7F2]  }
0x124: {  	[hbm4b:s7+s3] =	stream.indirect_vreg.scatter [tilespmem:s0], [sflag:$0x3], $0x80, v3, vm0, $0xb8;
	[tilespmem:$0x18600] =	vst v63  }
0x125: {  	_ = 	snop  }
0x126: {  	[hbm4b:s5+s29] =	stream.indirect.scatter [tilespmem:s9], [sflag:$0x4], $0x1, s25, s29, $0xb8;
	[tilespmem:$0x18600] =	vst v63  }
0x127: {  	_ =	swait.ge [sflag:s30], $0x3000  }
0x128: {  	[sflag:s30] =	ssyncset.done $0x0  }
0x129: {  	[sflag:s30] =	ssyncadd.s32 $0xFFFFD000  }
0x12a: {  	v3 =	vld [tilespmem:$0x18500];
	_ =	sdelay $0x4  }
0x12b: {  	v62 =	vshrl.u32 v3, $0x3  }
0x12c: {  	v4 =	vmul.u32 $0x30, v62  }
0x12d: {  	v3 =	vand.u32 $0x7, v3  }
0x12e: {  	v3 =	vor.u32 v3, v4  }
0x12f: {  	v4 =	vperm.xlane v3, v0;
	_ =	sdelay $0x1  }
0x130: {  	v4 =	vadd.s32 v1, v4;
	_ =	sdelay $0x3  }
0x131: {  	s2 =	sld [smem:$0x7F3];
	v3 =	vperm.xlane v3, v2  }
0x132: {  	[hbm4b:s4+s3] =	stream.indirect_vreg.scatter [tilespmem:s15], [sflag:$0x3], $0x80, v4, vm0, $0xb8;
	[tilespmem:$0x18600] =	vst v63  }
0x133: {  	s9 =	sld [smem:$0x7F4];
	v3 =	vadd.s32 v1, v3  }
0x134: {  	[hbm4b:s6+s3] =	stream.indirect_vreg.scatter [tilespmem:s2], [sflag:$0x3], $0x80, v4, vm0, $0xb8;
	[tilespmem:$0x18600] =	vst v63  }
0x135: {  	s0 =	sld [smem:$0x7F5]  }
0x136: {  	[hbm4b:s7+s3] =	stream.indirect_vreg.scatter [tilespmem:s9], [sflag:$0x3], $0x80, v4, vm0, $0xb8;
	[tilespmem:$0x18600] =	vst v63  }
0x137: {  	s9 =	sld [smem:$0x7F6]  }
0x138: {  	[hbm4b:s4+s3] =	stream.indirect_vreg.scatter [tilespmem:s0], [sflag:$0x3], $0x80, v3, vm0, $0xb8;
	[tilespmem:$0x18600] =	vst v63  }
0x139: {  	s0 =	sld [smem:$0x7F7]  }
0x13a: {  	[hbm4b:s6+s3] =	stream.indirect_vreg.scatter [tilespmem:s9], [sflag:$0x3], $0x80, v3, vm0, $0xb8;
	[tilespmem:$0x18600] =	vst v63  }
0x13b: {  	s9 =	sld [smem:$0x7F8]  }
0x13c: {  	[hbm4b:s7+s3] =	stream.indirect_vreg.scatter [tilespmem:s0], [sflag:$0x3], $0x80, v3, vm0, $0xb8;
	[tilespmem:$0x18600] =	vst v63  }
0x13d: {  	_ = 	snop  }
0x13e: {  	[hbm4b:s5+s29] =	stream.indirect.scatter [tilespmem:s9], [sflag:$0x4], $0x1, s26, s29, $0xb8;
	[tilespmem:$0x18600] =	vst v63  }
0x13f: {  	_ =	swait.ge [sflag:s30], $0x3000  }
0x140: {  	[sflag:s30] =	ssyncset.done $0x0  }
0x141: {  	[sflag:s30] =	ssyncadd.s32 $0xFFFFD000  }
0x142: {  	v3 =	vld [tilespmem:$0x18580];
	_ =	sdelay $0x4  }
0x143: {  	v63 =	vshrl.u32 v3, $0x3  }
0x144: {  	v4 =	vmul.u32 $0x30, v63  }
0x145: {  	v3 =	vand.u32 $0x7, v3  }
0x146: {  	v3 =	vor.u32 v3, v4  }
0x147: {  	v4 =	vperm.xlane v3, v0;
	_ =	sdelay $0x1  }
0x148: {  	v4 =	vadd.s32 v1, v4;
	_ =	sdelay $0x3  }
0x149: {  	s9 =	sld [smem:$0x7F9];
	v3 =	vperm.xlane v3, v2  }
0x14a: {  	[hbm4b:s4+s3] =	stream.indirect_vreg.scatter [tilespmem:s16], [sflag:$0x3], $0x80, v4, vm0, $0xb8;
	[tilespmem:$0x18600] =	vst v63  }
0x14b: {  	s2 =	sld [smem:$0x7FA];
	v3 =	vadd.s32 v1, v3  }
0x14c: {  	[hbm4b:s6+s3] =	stream.indirect_vreg.scatter [tilespmem:s9], [sflag:$0x3], $0x80, v4, vm0, $0xb8;
	[tilespmem:$0x18600] =	vst v63  }
0x14d: {  	s9 =	sld [smem:$0x7FB]  }
0x14e: {  	[hbm4b:s7+s3] =	stream.indirect_vreg.scatter [tilespmem:s2], [sflag:$0x3], $0x80, v4, vm0, $0xb8;
	[tilespmem:$0x18600] =	vst v63  }
0x14f: {  	s2 =	sld [smem:$0x7FC]  }
0x150: {  	[hbm4b:s4+s3] =	stream.indirect_vreg.scatter [tilespmem:s9], [sflag:$0x3], $0x80, v3, vm0, $0xb8;
	[tilespmem:$0x18600] =	vst v63  }
0x151: {  	s9 =	sld [smem:$0x7FD]  }
0x152: {  	[hbm4b:s6+s3] =	stream.indirect_vreg.scatter [tilespmem:s2], [sflag:$0x3], $0x80, v3, vm0, $0xb8;
	[tilespmem:$0x18600] =	vst v63  }
0x153: {  	_ = 	snop  }
0x154: {  	[hbm4b:s7+s3] =	stream.indirect_vreg.scatter [tilespmem:s9], [sflag:$0x3], $0x80, v3, vm0, $0xb8;
	[tilespmem:$0x18600] =	vst v63  }
0x155: {  	_ =	swait.ge [sflag:s31], $0x10  }
0x156: {  	[sflag:s31] =	ssyncset.done $0x0  }
0x157: {  	[sflag:s31] =	ssyncadd.s32 $0xFFFFFFF0  }
0x158: {  	_ =	swait.ge [sflag:s31], $0x10  }
0x159: {  	[sflag:s31] =	ssyncset.done $0x0  }
0x15a: {  	[sflag:s31] =	ssyncadd.s32 $0xFFFFFFF0  }
0x15b: {  	_ =	swait.ge [sflag:s31], $0x10  }
0x15c: {  	[sflag:s31] =	ssyncset.done $0x0  }
0x15d: {  	[sflag:s31] =	ssyncadd.s32 $0xFFFFFFF0  }
0x15e: {  	_ =	swait.ge [sflag:s31], $0x10  }
0x15f: {  	[sflag:s31] =	ssyncset.done $0x0  }
0x160: {  	[sflag:s31] =	ssyncadd.s32 $0xFFFFFFF0  }
0x161: {  	_ =	swait.ge [sflag:s31], $0x10  }
0x162: {  	[sflag:s31] =	ssyncset.done $0x0  }
0x163: {  	[sflag:s31] =	ssyncadd.s32 $0xFFFFFFF0  }
0x164: {  	_ =	swait.ge [sflag:s31], $0x10  }
0x165: {  	[sflag:s31] =	ssyncset.done $0x0  }
0x166: {  	[sflag:s31] =	ssyncadd.s32 $0xFFFFFFF0  }
0x167: {  	_ =	swait.ge [sflag:s31], $0x10  }
0x168: {  	[sflag:s31] =	ssyncset.done $0x0  }
0x169: {  	[sflag:s31] =	ssyncadd.s32 $0xFFFFFFF0  }
0x16a: {  	_ =	swait.ge [sflag:s31], $0x10  }
0x16b: {  	[sflag:s31] =	ssyncset.done $0x0  }
0x16c: {  	[sflag:s31] =	ssyncadd.s32 $0xFFFFFFF0  }
0x16d: {  	_ =	swait.ge [sflag:s28], $0x10  }
0x16e: {  	[sflag:s28] =	ssyncset.done $0x0  }
0x16f: {  	[sflag:s28] =	ssyncadd.s32 $0xFFFFFFF0  }
0x170: {  	_ =	swait.ge [sflag:s1], $0x3000  }
0x171: {  	[sflag:s1] =	ssyncset.done $0x0  }
0x172: {  	[sflag:s1] =	ssyncadd.s32 $0xFFFFD000  }
0x173: {  	_ =	swait.ge [sflag:s28], $0x10  }
0x174: {  	[sflag:s28] =	ssyncset.done $0x0  }
0x175: {  	[sflag:s28] =	ssyncadd.s32 $0xFFFFFFF0  }
0x176: {  	_ =	swait.ge [sflag:s1], $0x3000  }
0x177: {  	[sflag:s1] =	ssyncset.done $0x0  }
0x178: {  	[sflag:s1] =	ssyncadd.s32 $0xFFFFD000  }
0x179: {  	_ =	swait.ge [sflag:s28], $0x10  }
0x17a: {  	[sflag:s28] =	ssyncset.done $0x0  }
0x17b: {  	[sflag:s28] =	ssyncadd.s32 $0xFFFFFFF0  }
0x17c: {  	_ =	swait.ge [sflag:s1], $0x3000  }
0x17d: {  	[sflag:s1] =	ssyncset.done $0x0  }
0x17e: {  	[sflag:s1] =	ssyncadd.s32 $0xFFFFD000  }
0x17f: {  	_ =	swait.ge [sflag:s28], $0x10  }
0x180: {  	[sflag:s28] =	ssyncset.done $0x0  }
0x181: {  	[sflag:s28] =	ssyncadd.s32 $0xFFFFFFF0  }
0x182: {  	_ =	swait.ge [sflag:s1], $0x3000  }
0x183: {  	[sflag:s1] =	ssyncset.done $0x0  }
0x184: {  	[sflag:s1] =	ssyncadd.s32 $0xFFFFD000  }
0x185: {  	_ =	swait.ge [sflag:s28], $0x10  }
0x186: {  	[sflag:s28] =	ssyncset.done $0x0  }
0x187: {  	[sflag:s28] =	ssyncadd.s32 $0xFFFFFFF0  }
0x188: {  	_ =	swait.ge [sflag:s1], $0x3000  }
0x189: {  	[sflag:s1] =	ssyncset.done $0x0  }
0x18a: {  	[sflag:s1] =	ssyncadd.s32 $0xFFFFD000  }
0x18b: {  	_ =	swait.ge [sflag:s28], $0x10  }
0x18c: {  	[sflag:s28] =	ssyncset.done $0x0  }
0x18d: {  	[sflag:s28] =	ssyncadd.s32 $0xFFFFFFF0  }
0x18e: {  	_ =	swait.ge [sflag:s1], $0x3000  }
0x18f: {  	[sflag:s1] =	ssyncset.done $0x0  }
0x190: {  	[sflag:s1] =	ssyncadd.s32 $0xFFFFD000  }
0x191: {  	_ =	swait.ge [sflag:s28], $0x10  }
0x192: {  	[sflag:s28] =	ssyncset.done $0x0  }
0x193: {  	[sflag:s28] =	ssyncadd.s32 $0xFFFFFFF0  }
0x194: {  	_ =	swait.ge [sflag:s1], $0x3000  }
0x195: {  	[sflag:s1] =	ssyncset.done $0x0  }
0x196: {  	[sflag:s1] =	ssyncadd.s32 $0xFFFFD000  }
0x197: {  	p0 =	sne.s32 s8, $0x1;
	_ =	swait.ge [sflag:s28], $0x10  }
.Ltmp0:
0x198: {  	[sflag:s28] =	ssyncset.done $0x0;
	(pc) =	sbr.rel @p0 .LBB2_1-.Ltmp0, $4  }
0x199: {  	[sflag:s28] =	ssyncadd.s32 $0xFFFFFFF0  }
0x19a: {  	_ =	swait.ge [sflag:s1], $0x3000  }
0x19b: {  	[sflag:s1] =	ssyncset.done $0x0  }
0x19c: {  	s8 =	sadd.s32 $0xFFFFFFFF, s8;
	[sflag:s1] =	ssyncadd.s32 $0xFFFFD000  }
0x19d: {  	_ =	sfence.sel $0x180000  }
0x19e: {  	[bflag:$0x0] =	sbarrier.arrive $0xFFFF  }
0x19f: {  	_ =	strace $0x90000047  }
0x1a0: {  	s0 =	stileid.u32;
	[bflag:$0x2] =	sbarrier.arrive $0xFFFF  }
0x1a1: {  	p0 =	sne.s32 s0, $0x0;
	s0 =	rddreg [dreg:$0x3]  }
0x1a2: {  	s0 =	sadd.s32 @!p0 $0x100000, s0  }
0x1a3: {  	[sflag:s0] =	ssyncadd.tile.s32 @!p0 $0x1;
	_ =	shalt  }
.Lfunc_end2:
_tile_overlayer_lowered:
.L_overlay_start_2:
0x1a4: {  	(tag) =	ssettag $0x2  }
0x1a5: {  	s0 =	rddreg [dreg:$0x0];
	s2 =	stileid.u32  }
0x1a6: {  	s1 =	rddreg [dreg:$0x1];
	p0 =	sne.s32 s2, $0x0  }
0x1a7: {  	s3 =	rddreg [dreg:$0x2];
	[bflag:$0x3] =	sbarrier.arrive $0xFFFF;
	s2 =	simm.s32 @!p0 $0x1C06  }
0x1a8: {  	[timem:s3], [sflag:s2] =	dma.local @!p0 [hbm:s0], s1  }
0x1a9: {  	s0 =	simm.s32 @!p0 $0x6  }
0x1aa: {  	_ =	swait.ge @!p0 [sflag:s0], s1  }
0x1ab: {  	s1 =	ssub.s32 @!p0 $0x0, s1;
	[sflag:s0] =	ssyncset.done @!p0 $0x0  }
0x1ac: {  	[sflag:s0] =	ssyncadd.s32 @!p0 s1  }
0x1ad: {  	[bflag:$0x3] =	sbarrier.arrive $0xFFFF  }
0x1ae: {  	_ =	shalt  }

// kernel: kernel.9.cloned.1.call-start
scs
__scs_entry_jumppad:
0x0: {  	(pc) =	sbr.rel $0x88, $3  }
0x1: {  	(tag) =	ssettag $0x0;
	lr =	simm.s32 $0x1  }
0x2: {  	[smem:$0x3F9D] =	sst lr;
	_ =	strace $0xD0000000  }
0x3: {  	_ = 	snop  }
0x4: {  	_ = 	snop  }
0x5: {  	_ = 	snop  }
0x6: {  	_ = 	snop  }
0x7: {  	_ = 	snop  }
__scs_overlays_trampoline_lowered:
0x8: {  	[smem:$0x3FAC] =	sst s0  }
0x9: {  	[smem:$0x3FAD] =	sst s1  }
0xa: {  	[smem:$0x3FAE] =	sst s2  }
0xb: {  	[smem:$0x3FAF] =	sst s3  }
0xc: {  	[smem:$0x3FB0] =	sst s4  }
0xd: {  	[smem:$0x3FB1] =	sst s5  }
0xe: {  	[smem:$0x3FB2] =	sst s6  }
0xf: {  	[smem:$0x3FB3] =	sst s7  }
0x10: {  	[smem:$0x3FB4] =	sst s8  }
0x11: {  	[smem:$0x3FB5] =	sst s9;
	s0 =	simm.s32 @!p0 $0x0  }
0x12: {  	s1 =	sld [smem:$0x3F9B];
	s0 =	simm.s32 @p0 $0x1  }
0x13: {  	[smem:$0x3FB6] =	sst s0;
	s0 =	simm.s32 @!p1 $0x0  }
0x14: {  	s2 =	sld [smem:$0x3F9A];
	s0 =	simm.s32 @p1 $0x1  }
0x15: {  	[smem:$0x3FB7] =	sst s0;
	s0 =	simm.s32 @!p2 $0x0  }
0x16: {  	s3 =	sld [smem:$0x3FDB];
	s0 =	simm.s32 @p2 $0x1  }
0x17: {  	s4 =	simm.s32 $0x1BF5;
	[smem:$0x3FB9] =	sst s0  }
0x18: {  	s0 =	sld [smem:$0x3F9C];
	_ =	swait.ge [sflag:s4], $0x0  }
0x19: {  	s7 =	sld [smem:$0x3F9D]  }
0x1a: {  	s8 =	sadd.s32 $0xFFFFE003, lr  }
0x1b: {  	s9 =	sadd.s32 $0xFFFFFEF7, lr;
	s5 =	simm.s32 $0xFFFFFFFF;
	p2 =	slt.u32 s8, $0xFFFFF086  }
0x1c: {  	p1 =	slt.u32 s9, $0xF7A;
	s5 =	simm.s32 @!p2 $0x0  }
0x1d: {  	s5 =	simm.s32 @p1 $0x1;
	p0 =	seq.s32 s7, s2  }
0x1e: {  	s7 =	smul.u32 @!p0 $0xF7A, s2;
	p2 =	seq.s32 @!p0 s5, $0x0  }
0x1f: {  	s9 =	smul.u32 $0xF7A, s1;
	s8 =	simm.s32 @!p0 $0x1BF5;
	p2 =	por !p2, p0  }
0x20: {  	[sflag:s8] =	ssyncset.s32 @!p0 $0xFFFFF086;
	s6 =	sadd.s32 @!p0 s3, s7;
	s7 =	simm.s32 @!p0 $0x108  }
0x21: {  	s3 =	sadd.s32 s3, s9;
	s6 =	sadd.s32 @!p0 $0x88, s6;
	s7 =	simm.s32 @p2 $0x1082  }
0x22: {  	[simem:s7], [sflag:s8] =	dma.local @!p0 [hbm:s6], $0xF7A  }
0x23: {  	s9 =	sor.u32 $0xD0000000, s2;
	s6 =	simm.s32 $0x108;
	_ =	swait.ge @!p0 [sflag:s8], $0x0  }
0x24: {  	s3 =	sadd.s32 $0x88, s3;
	s6 =	simm.s32 @!p1 $0x1082;
	[sflag:s4] =	ssyncset.s32 $0xFFFFF086  }
0x25: {  	[simem:s6], [sflag:s4] =	dma.local [hbm:s3], $0xF7A  }
0x26: {  	[smem:$0x3F9D] =	sst s1;
	(tag) =	ssettag s2;
	_ =	strace s9  }
0x27: {  	s1 =	sld [smem:$0x3FAD]  }
0x28: {  	s2 =	sld [smem:$0x3FAE]  }
0x29: {  	s4 =	sld [smem:$0x3FB0]  }
0x2a: {  	p0 =	seq.s32 s5, $0x0;
	s5 =	sld [smem:$0x3FB1]  }
0x2b: {  	s6 =	sld [smem:$0x3FB2]  }
0x2c: {  	s7 =	sld [smem:$0x3FB3]  }
0x2d: {  	s3 =	simm.s32 $0x108;
	s8 =	sld [smem:$0x3FB4]  }
0x2e: {  	s3 =	simm.s32 @!p0 $0x1082;
	s9 =	sld [smem:$0x3FB5]  }
0x2f: {  	lr =	sadd.s32 s0, s3;
	s0 =	sld [smem:$0x3FAC]  }
0x30: {  	s3 =	sld [smem:$0x3FAF]  }
0x31: {  	[smem:$0x3FB8] =	sst s10  }
0x32: {  	s10 =	sld [smem:$0x3FB6];
	_ =	sdelay $0x3  }
0x33: {  	p0 =	seq.s32 s10, $0x1;
	s10 =	sld [smem:$0x3FB8];
	_ =	sdelay $0x3  }
0x34: {  	[smem:$0x3FB8] =	sst s10  }
0x35: {  	s10 =	sld [smem:$0x3FB7];
	_ =	sdelay $0x3  }
0x36: {  	p1 =	seq.s32 s10, $0x1;
	s10 =	sld [smem:$0x3FB8];
	_ =	sdelay $0x3  }
0x37: {  	[smem:$0x3FB8] =	sst s10  }
0x38: {  	s10 =	sld [smem:$0x3FB9]  }
0x39: {  	_ = 	snop;
	(pc) =	sbr.ind lr, $3  }
0x3a: {  	_ = 	snop  }
0x3b: {  	_ = 	snop  }
0x3c: {  	p2 =	seq.s32 s10, $0x1;
	s10 =	sld [smem:$0x3FB8]  }
0x3d: {  	_ =	shalt  }
0x3e: {  	_ =	shalt  }
0x3f: {  	_ =	shalt  }
0x40: {  	_ =	shalt  }
0x41: {  	_ =	shalt  }
0x42: {  	_ =	shalt  }
0x43: {  	_ =	shalt  }
0x44: {  	_ =	shalt  }
0x45: {  	_ =	shalt  }
0x46: {  	_ =	shalt  }
0x47: {  	_ =	shalt  }
0x48: {  	_ =	shalt  }
0x49: {  	_ =	shalt  }
0x4a: {  	_ =	shalt  }
0x4b: {  	_ =	shalt  }
0x4c: {  	_ =	shalt  }
0x4d: {  	_ =	shalt  }
0x4e: {  	_ =	shalt  }
0x4f: {  	_ =	shalt  }
0x50: {  	_ =	shalt  }
0x51: {  	_ =	shalt  }
0x52: {  	_ =	shalt  }
0x53: {  	_ =	shalt  }
0x54: {  	_ =	shalt  }
0x55: {  	_ =	shalt  }
0x56: {  	_ =	shalt  }
0x57: {  	_ =	shalt  }
0x58: {  	_ =	shalt  }
0x59: {  	_ =	shalt  }
0x5a: {  	_ =	shalt  }
0x5b: {  	_ =	shalt  }
0x5c: {  	_ =	shalt  }
0x5d: {  	_ =	shalt  }
0x5e: {  	_ =	shalt  }
0x5f: {  	_ =	shalt  }
0x60: {  	_ =	shalt  }
0x61: {  	_ =	shalt  }
0x62: {  	_ =	shalt  }
0x63: {  	_ =	shalt  }
0x64: {  	_ =	shalt  }
0x65: {  	_ =	shalt  }
0x66: {  	_ =	shalt  }
0x67: {  	_ =	shalt  }
0x68: {  	_ =	shalt  }
0x69: {  	_ =	shalt  }
0x6a: {  	_ =	shalt  }
0x6b: {  	_ =	shalt  }
0x6c: {  	_ =	shalt  }
0x6d: {  	_ =	shalt  }
0x6e: {  	_ =	shalt  }
0x6f: {  	_ =	shalt  }
0x70: {  	_ =	shalt  }
0x71: {  	_ =	shalt  }
0x72: {  	_ =	shalt  }
0x73: {  	_ =	shalt  }
0x74: {  	_ =	shalt  }
0x75: {  	_ =	shalt  }
0x76: {  	_ =	shalt  }
0x77: {  	_ =	shalt  }
0x78: {  	_ =	shalt  }
0x79: {  	_ =	shalt  }
0x7a: {  	_ =	shalt  }
0x7b: {  	_ =	shalt  }
0x7c: {  	_ =	shalt  }
0x7d: {  	_ =	shalt  }
0x7e: {  	_ =	shalt  }
0x7f: {  	_ =	shalt  }
0x80: {  	_ =	shalt  }
0x81: {  	_ =	shalt  }
0x82: {  	_ =	shalt  }
0x83: {  	_ =	shalt  }
0x84: {  	_ =	shalt  }
0x85: {  	_ =	shalt  }
0x86: {  	_ =	shalt  }
0x87: {  	_ =	shalt  }
.Lfunc_end0:
.L_simem_size_0:
called_computation.1_lowered:
.L_overlay_start_0:
0x88: {  	s2 =	sld [smem:$0x3FD9]  }
0x89: {  	s3 =	sld [smem:$0x3FFE];
	_ =	sdelay $0x1  }
0x8a: {  	s1 =	srdreg.scid  }
0x8b: {  	s0 =	sand.u32 $0x1, s1  }
0x8c: {  	s17 =	sshll.u32 s0, $0xA;
	s2 =	sadd.s32 s3, s2  }
0x8d: {  	s2 =	sadd.s32 s2, s17  }
0x8e: {  	[smem:$0x3FC4] =	sst s2  }
0x8f: {  	_ = 	snop  }
0x90: {  	s2 =	sld [smem:$0x3FD0];
	(tm) =	ssettm $0x1  }
0x91: {  	s18 =	sld [smem:$0x3FFB];
	_ =	sdelay $0x3  }
0x92: {  	_ =	strace s18  }
0x93: {  	s3 =	sld [smem:$0x3FFC];
	_ =	sdelay $0x3  }
0x94: {  	_ =	strace s3  }
0x95: {  	s3 =	sld [smem:$0x3FFD];
	_ =	sdelay $0x3  }
0x96: {  	_ =	strace s3  }
0x97: {  	_ =	strace $0x8FFFFFFF  }
0x98: {  	s19 =	sld [smem:$0x3FDB];
	_ =	sdelay $0x1  }
0x99: {  	s4 =	simm.s32 $_scs_section_size  }
0x9a: {  	s5 =	simm.s32 $_size__tile_overlayer_lowered;
	s6 =	simm.s32 $_tile_overlayer_lowered  }
0x9b: {  	s22 =	simm.s32 $0x1BFF;
	s21 =	sshll.u32 s6, $0x1;
	s3 =	sadd.s32 s4, s19  }
0x9c: {  	s7 =	simm.s32 $0x0;
	s20 =	sshll.u32 s5, $0x1;
	s5 =	sadd.s32 s21, s3  }
0x9d: {  	[timem:s7], [sflag:s22] =	dma.local [hbm:s5], s20  }
0x9e: {  	_ =	swait.ge [sflag:s22], s20  }
0x9f: {  	s4 =	ssub.s32 $0x0, s20;
	[sflag:s22] =	ssyncset.done $0x0  }
0xa0: {  	[sflag:s22] =	ssyncadd.s32 s4;
	_ =	sdelay $0x1  }
0xa1: {  	s23 =	simm.s32 $0x1B8B  }
0xa2: {  	_ =	swait.ge [sflag:s23], $0x1  }
0xa3: {  	[sflag:s23] =	ssyncset.done $0x0  }
0xa4: {  	s25 =	simm.s32 $0x1B8E;
	s24 =	sld [smem:$0x3FFE];
	[sflag:s23] =	ssyncadd.s32 $0xFFFFFFFF  }
0xa5: {  	s26 =	simm.s32 $execute0_lowered;
	[smem:$0x3FD2] =	sst s25  }
0xa6: {  	s5 =	sshll.u32 s26, $0x1;
	_ =	strace $0x80000049;
	[dreg:$0x1] =	wrdreg $0xFFFFFFFF  }
0xa7: {  	s28 =	simm.s32 $_size_execute0_lowered;
	s3 =	sadd.s32 s3, s5;
	[dreg:$0x0] =	wrdreg $0x0  }
0xa8: {  	s5 =	sshll.u32 s28, $0x1;
	[dreg:$0x2] =	wrdreg s3  }
0xa9: {  	[dreg:$0x3] =	wrdreg s5  }
0xaa: {  	[dreg:$0x4] =	wrdreg $0xC0  }
0xab: {  	_ =	task [dreg:s7], $0x5FFFF  }
0xac: {  	[dreg:$0x1] =	wrdreg $0xFFFFFFFF  }
0xad: {  	[dreg:$0x0] =	wrdreg $0x60  }
0xae: {  	[dreg:$0x2] =	wrdreg s24  }
0xaf: {  	[dreg:$0x3] =	wrdreg s2  }
0xb0: {  	[dreg:$0x4] =	wrdreg $0x9  }
0xb1: {  	_ =	task.clear_ibuf [dreg:s7], $0x5FFFF;
	_ =	strace $0x90000049  }
0xb2: {  	s29 =	simm.s32 $0x9;
	_ =	strace $0x8000004B  }
0xb3: {  	_ =	swait.ge [sflag:s29], $0x1  }
0xb4: {  	[sflag:s29] =	ssyncadd.s32 $0xFFFFFFFF  }
0xb5: {  	_ =	strace $0x9000004B  }
0xb6: {  	_ =	sfence  }
0xb7: {  	s30 =	sld [smem:$0x0];
	_ =	sdelay $0x2  }
0xb8: {  	s31 =	sshll.u32 s1, $0xD;
	s1 =	sshrl.u32 s1, $0x2  }
0xb9: {  	s3 =	sand.u32 $0x4000, s31;
	s1 =	sadd.s32 s1, s30  }
0xba: {  	s0 =	sor.u32 s3, s0;
	s1 =	sshll.u32 s1, $0x11  }
0xbb: {  	s0 =	sor.u32 s1, s0  }
0xbc: {  	s0 =	sadd.s32 $0x8F2B, s0  }
0xbd: {  	[sflag:s0] =	ssyncadd.remote.s32 $0x1  }
0xbe: {  	_ =	sfence.sel $0xFFFF  }
0xbf: {  	[dreg:$0x0] =	wrdreg $0xFFFFFFFF;
	(pc) =	sbr.abs _section_cstart, $3  }
0xc0: {  	[dreg:$0x1] =	wrdreg $0xFFFFFFFF  }
0xc1: {  	_ =	task.clear_ibuf [dreg:s7], $0x2FFFF;
	_ =	strace $0x9FFFFFFF  }
0xc2: {  	(tm) =	ssettm $0x7FFFFFFF  }
0xc3: {  	_ =	shalt  }
tec
execute0_lowered:
.L_overlay_start_1:
0x0: {  	(tag) =	ssettag $0x1  }
0x1: {  	s2 =	srdreg.scid;
	s1 =	rddreg [dreg:$0x0]  }
0x2: {  	s3 =	rddreg [dreg:$0x1];
	s4 =	sand.u32 $0x1, s2;
	s2 =	simm.s32 $0x0  }
0x3: {  	s0 =	stileid.u32;
	s25 =	simm.s32 $0x880;
	[smem:$0x7FF] =	sst s2  }
0x4: {  	s26 =	simm.s32 $0x1080;
	_ =	strace $0x8000004A;
	[dreg:$0x5] =	wrdreg s25  }
0x5: {  	s5 =	sshll.u32 s0, $0x5;
	s0 =	simm.s32 $0x1880;
	[dreg:$0x6] =	wrdreg s26  }
0x6: {  	s7 =	simm.s32 $0x3080;
	[dreg:$0x7] =	wrdreg s0  }
0x7: {  	s8 =	simm.s32 $0x3880;
	[dreg:$0xa] =	wrdreg s7  }
0x8: {  	s9 =	simm.s32 $0x4080;
	[dreg:$0xb] =	wrdreg s8  }
0x9: {  	s10 =	simm.s32 $0x4880;
	[dreg:$0xc] =	wrdreg s9  }
0xa: {  	s11 =	simm.s32 $0x5080;
	[dreg:$0xd] =	wrdreg s10  }
0xb: {  	s12 =	simm.s32 $0x5880;
	[dreg:$0xe] =	wrdreg s11  }
0xc: {  	s13 =	simm.s32 $0x6080;
	[dreg:$0xf] =	wrdreg s12  }
0xd: {  	s14 =	simm.s32 $0x6880;
	[dreg:$0x10] =	wrdreg s13  }
0xe: {  	s15 =	simm.s32 $0x7080;
	[dreg:$0x11] =	wrdreg s14  }
0xf: {  	s16 =	simm.s32 $0x7880;
	s17 =	simm.s32 $0x8080;
	[dreg:$0x12] =	wrdreg s15  }
0x10: {  	s18 =	simm.s32 $0x8880;
	s19 =	simm.s32 $0x9080;
	[dreg:$0x13] =	wrdreg s16  }
0x11: {  	s21 =	simm.s32 $0x9880;
	s22 =	simm.s32 $0xA080;
	[dreg:$0x14] =	wrdreg s17  }
0x12: {  	s23 =	simm.s32 $0xB080;
	s24 =	simm.s32 $0xB880;
	[dreg:$0x15] =	wrdreg s18  }
0x13: {  	s28 =	simm.s32 $0x16080;
	s29 =	simm.s32 $0x16880;
	[dreg:$0x16] =	wrdreg s19  }
0x14: {  	s30 =	simm.s32 $0x17080;
	s31 =	simm.s32 $0x17880;
	[dreg:$0x17] =	wrdreg s21  }
0x15: {  	s6 =	sshll.u32 s4, $0x4;
	s4 =	ssub.s32 $0x2, s4;
	[dreg:$0x18] =	wrdreg s22  }
0x16: {  	s5 =	sor.u32 s6, s5;
	s20 =	sshrl.u32 s4, $0x1;
	[dreg:$0x1a] =	wrdreg s23  }
0x17: {  	s7 =	simm.s32 $0xA880;
	[dreg:$0x1b] =	wrdreg s24;
	s25 =	simm.s32 $0xC080  }
0x18: {  	s8 =	simm.s32 $0x80;
	s26 =	simm.s32 $0xC880;
	s10 =	simm.s32 $0xD880  }
0x19: {  	s11 =	simm.s32 $0xE080;
	s12 =	simm.s32 $0xE880;
	s13 =	simm.s32 $0xF080  }
0x1a: {  	s14 =	simm.s32 $0xF880;
	s15 =	simm.s32 $0x10080;
	s16 =	simm.s32 $0x10880  }
0x1b: {  	s17 =	simm.s32 $0x11080;
	s18 =	simm.s32 $0x11880;
	s19 =	simm.s32 $0x12080  }
0x1c: {  	s21 =	simm.s32 $0x13080;
	s22 =	simm.s32 $0x13880;
	[dreg:$0x19] =	wrdreg s7  }
0x1d: {  	s6 =	sadd.s32 s5, s1;
	s5 =	smul.u32 $0x300, s5;
	[dreg:$0x1c] =	wrdreg s25  }
0x1e: {  	s23 =	simm.s32 $0x14080;
	[dreg:$0x1d] =	wrdreg s26;
	s6 =	sadd.s32 $0x120C00, s6  }
0x1f: {  	s24 =	simm.s32 $0x14880;
	[dreg:$0x3] =	wrdreg s6;
	s3 =	sadd.s32 s3, s5  }
0x20: {  	s7 =	simm.s32 $0x2;
	s5 =	simm.s32 $0x2080;
	[dreg:$0x4] =	wrdreg s3  }
0x21: {  	s25 =	simm.s32 $0x15080;
	s6 =	simm.s32 $0x2880;
	[dreg:$0x8] =	wrdreg s5  }
0x22: {  	v2 =	vlaneseq.u32;
	s26 =	simm.s32 $0x15880;
	[dreg:$0x9] =	wrdreg s6;
	s3 =	sadd.s32 $0x121400, s1  }
0x23: {  	vm0 =	vmmov $0xffff;
	v1 =	vshrl.u32 v2, $0x3;
	s6 =	ssub.s32 s4, s20;
	s4 =	sadd.s32 $0x121500, s1;
	s5 =	sadd.s32 $0x121600, s1  }
0x24: {  	v0 =	vand.u32 $0x7, v2;
	v2 =	vor.u32 $0x8, v2;
	v1 =	vmul.u32 $0x8, v1;
	s20 =	simm.s32 $0x12880;
	s1 =	simm.s32 $0x1;
	s6 =	smax.u32 s6, $0x1  }
.LBB2_1:
0x25: {  	s0 =	rddreg [dreg:$0x3]  }
0x26: {  	[tilespmem:s2], [sflag:$0x2] =	stream.linear.gather [hbm4b:s0+s2], $0x80, $0x38;
	[tilespmem:$0x18080] =	vst v63  }
0x27: {  	_ =	swait.ge [sflag:s7], $0x80  }
0x28: {  	[sflag:s7] =	ssyncset.done $0x0  }
0x29: {  	[sflag:s7] =	ssyncadd.s32 $0xFFFFFF80  }
0x2a: {  	v3 =	vld [tilespmem:$0x0];
	_ =	sdelay $0x4  }
0x2b: {  	v4 =	vshrl.u32 v3, $0x3  }
0x2c: {  	v4 =	vmul.u32 $0x30, v4  }
0x2d: {  	v3 =	vand.u32 $0x7, v3  }
0x2e: {  	v3 =	vor.u32 v3, v4  }
0x2f: {  	v4 =	vperm.xlane v3, v0;
	_ =	sdelay $0x1  }
0x30: {  	v4 =	vadd.s32 v1, v4;
	_ =	sdelay $0x3  }
0x31: {  	v3 =	vperm.xlane v3, v2  }
0x32: {  	[tilespmem:s8], [sflag:$0x1] =	stream.indirect_vreg.gather [hbm4b:s3+s2], $0x80, v4, vm0, $0xb8;
	[tilespmem:$0x18080] =	vst v63  }
0x33: {  	s0 =	rddreg [dreg:$0x5];
	v3 =	vadd.s32 v1, v3  }
0x34: {  	[tilespmem:s0], [sflag:$0x1] =	stream.indirect_vreg.gather [hbm4b:s4+s2], $0x80, v4, vm0, $0xb8;
	[tilespmem:$0x18080] =	vst v63  }
0x35: {  	s9 =	rddreg [dreg:$0x6]  }
0x36: {  	[tilespmem:s9], [sflag:$0x1] =	stream.indirect_vreg.gather [hbm4b:s5+s2], $0x80, v4, vm0, $0xb8;
	[tilespmem:$0x18080] =	vst v63  }
0x37: {  	s0 =	rddreg [dreg:$0x7]  }
0x38: {  	[tilespmem:s0], [sflag:$0x1] =	stream.indirect_vreg.gather [hbm4b:s3+s2], $0x80, v3, vm0, $0xb8;
	[tilespmem:$0x18080] =	vst v63  }
0x39: {  	s9 =	rddreg [dreg:$0x8]  }
0x3a: {  	[tilespmem:s9], [sflag:$0x1] =	stream.indirect_vreg.gather [hbm4b:s4+s2], $0x80, v3, vm0, $0xb8;
	[tilespmem:$0x18080] =	vst v63  }
0x3b: {  	s0 =	rddreg [dreg:$0x9]  }
0x3c: {  	[tilespmem:s0], [sflag:$0x1] =	stream.indirect_vreg.gather [hbm4b:s5+s2], $0x80, v3, vm0, $0xb8;
	[tilespmem:$0x18080] =	vst v63  }
0x3d: {  	v3 =	vld [tilespmem:$0x10];
	_ =	sdelay $0x4  }
0x3e: {  	v57 =	vshrl.u32 v3, $0x3  }
0x3f: {  	v4 =	vmul.u32 $0x30, v57  }
0x40: {  	v3 =	vand.u32 $0x7, v3  }
0x41: {  	v3 =	vor.u32 v3, v4  }
0x42: {  	v4 =	vperm.xlane v3, v0;
	_ =	sdelay $0x1  }
0x43: {  	v4 =	vadd.s32 v1, v4;
	_ =	sdelay $0x3  }
0x44: {  	s0 =	rddreg [dreg:$0xa];
	v3 =	vperm.xlane v3, v2  }
0x45: {  	[tilespmem:s0], [sflag:$0x1] =	stream.indirect_vreg.gather [hbm4b:s3+s2], $0x80, v4, vm0, $0xb8;
	[tilespmem:$0x18080] =	vst v63  }
0x46: {  	s9 =	rddreg [dreg:$0xb];
	v3 =	vadd.s32 v1, v3  }
0x47: {  	[tilespmem:s9], [sflag:$0x1] =	stream.indirect_vreg.gather [hbm4b:s4+s2], $0x80, v4, vm0, $0xb8;
	[tilespmem:$0x18080] =	vst v63  }
0x48: {  	s0 =	rddreg [dreg:$0xc]  }
0x49: {  	[tilespmem:s0], [sflag:$0x1] =	stream.indirect_vreg.gather [hbm4b:s5+s2], $0x80, v4, vm0, $0xb8;
	[tilespmem:$0x18080] =	vst v63  }
0x4a: {  	s9 =	rddreg [dreg:$0xd]  }
0x4b: {  	[tilespmem:s9], [sflag:$0x1] =	stream.indirect_vreg.gather [hbm4b:s3+s2], $0x80, v3, vm0, $0xb8;
	[tilespmem:$0x18080] =	vst v63  }
0x4c: {  	s0 =	rddreg [dreg:$0xe]  }
0x4d: {  	[tilespmem:s0], [sflag:$0x1] =	stream.indirect_vreg.gather [hbm4b:s4+s2], $0x80, v3, vm0, $0xb8;
	[tilespmem:$0x18080] =	vst v63  }
0x4e: {  	s9 =	rddreg [dreg:$0xf]  }
0x4f: {  	[tilespmem:s9], [sflag:$0x1] =	stream.indirect_vreg.gather [hbm4b:s5+s2], $0x80, v3, vm0, $0xb8;
	[tilespmem:$0x18080] =	vst v63  }
0x50: {  	v3 =	vld [tilespmem:$0x20];
	_ =	sdelay $0x4  }
0x51: {  	v58 =	vshrl.u32 v3, $0x3  }
0x52: {  	v4 =	vmul.u32 $0x30, v58  }
0x53: {  	v3 =	vand.u32 $0x7, v3  }
0x54: {  	v3 =	vor.u32 v3, v4  }
0x55: {  	v4 =	vperm.xlane v3, v0;
	_ =	sdelay $0x1  }
0x56: {  	v4 =	vadd.s32 v1, v4;
	_ =	sdelay $0x3  }
0x57: {  	s0 =	rddreg [dreg:$0x10];
	v3 =	vperm.xlane v3, v2  }
0x58: {  	[tilespmem:s0], [sflag:$0x1] =	stream.indirect_vreg.gather [hbm4b:s3+s2], $0x80, v4, vm0, $0xb8;
	[tilespmem:$0x18080] =	vst v63  }
0x59: {  	s9 =	rddreg [dreg:$0x11];
	v3 =	vadd.s32 v1, v3  }
0x5a: {  	[tilespmem:s9], [sflag:$0x1] =	stream.indirect_vreg.gather [hbm4b:s4+s2], $0x80, v4, vm0, $0xb8;
	[tilespmem:$0x18080] =	vst v63  }
0x5b: {  	s0 =	rddreg [dreg:$0x12]  }
0x5c: {  	[tilespmem:s0], [sflag:$0x1] =	stream.indirect_vreg.gather [hbm4b:s5+s2], $0x80, v4, vm0, $0xb8;
	[tilespmem:$0x18080] =	vst v63  }
0x5d: {  	s9 =	rddreg [dreg:$0x13]  }
0x5e: {  	[tilespmem:s9], [sflag:$0x1] =	stream.indirect_vreg.gather [hbm4b:s3+s2], $0x80, v3, vm0, $0xb8;
	[tilespmem:$0x18080] =	vst v63  }
0x5f: {  	s0 =	rddreg [dreg:$0x14]  }
0x60: {  	[tilespmem:s0], [sflag:$0x1] =	stream.indirect_vreg.gather [hbm4b:s4+s2], $0x80, v3, vm0, $0xb8;
	[tilespmem:$0x18080] =	vst v63  }
0x61: {  	s9 =	rddreg [dreg:$0x15]  }
0x62: {  	[tilespmem:s9], [sflag:$0x1] =	stream.indirect_vreg.gather [hbm4b:s5+s2], $0x80, v3, vm0, $0xb8;
	[tilespmem:$0x18080] =	vst v63  }
0x63: {  	v3 =	vld [tilespmem:$0x30];
	_ =	sdelay $0x4  }
0x64: {  	v59 =	vshrl.u32 v3, $0x3  }
0x65: {  	v4 =	vmul.u32 $0x30, v59  }
0x66: {  	v3 =	vand.u32 $0x7, v3  }
0x67: {  	v3 =	vor.u32 v3, v4  }
0x68: {  	v4 =	vperm.xlane v3, v0;
	_ =	sdelay $0x1  }
0x69: {  	v4 =	vadd.s32 v1, v4;
	_ =	sdelay $0x3  }
0x6a: {  	s0 =	rddreg [dreg:$0x16];
	v3 =	vperm.xlane v3, v2  }
0x6b: {  	[tilespmem:s0], [sflag:$0x1] =	stream.indirect_vreg.gather [hbm4b:s3+s2], $0x80, v4, vm0, $0xb8;
	[tilespmem:$0x18080] =	vst v63  }
0x6c: {  	s9 =	rddreg [dreg:$0x17];
	v3 =	vadd.s32 v1, v3  }
0x6d: {  	[tilespmem:s9], [sflag:$0x1] =	stream.indirect_vreg.gather [hbm4b:s4+s2], $0x80, v4, vm0, $0xb8;
	[tilespmem:$0x18080] =	vst v63  }
0x6e: {  	s0 =	rddreg [dreg:$0x18]  }
0x6f: {  	[tilespmem:s0], [sflag:$0x1] =	stream.indirect_vreg.gather [hbm4b:s5+s2], $0x80, v4, vm0, $0xb8;
	[tilespmem:$0x18080] =	vst v63  }
0x70: {  	s9 =	rddreg [dreg:$0x19]  }
0x71: {  	[tilespmem:s9], [sflag:$0x1] =	stream.indirect_vreg.gather [hbm4b:s3+s2], $0x80, v3, vm0, $0xb8;
	[tilespmem:$0x18080] =	vst v63  }
0x72: {  	s0 =	rddreg [dreg:$0x1a]  }
0x73: {  	[tilespmem:s0], [sflag:$0x1] =	stream.indirect_vreg.gather [hbm4b:s4+s2], $0x80, v3, vm0, $0xb8;
	[tilespmem:$0x18080] =	vst v63  }
0x74: {  	s9 =	rddreg [dreg:$0x1b]  }
0x75: {  	[tilespmem:s9], [sflag:$0x1] =	stream.indirect_vreg.gather [hbm4b:s5+s2], $0x80, v3, vm0, $0xb8;
	[tilespmem:$0x18080] =	vst v63  }
0x76: {  	v3 =	vld [tilespmem:$0x40];
	_ =	sdelay $0x4  }
0x77: {  	v60 =	vshrl.u32 v3, $0x3  }
0x78: {  	v4 =	vmul.u32 $0x30, v60  }
0x79: {  	v3 =	vand.u32 $0x7, v3  }
0x7a: {  	v3 =	vor.u32 v3, v4  }
0x7b: {  	v4 =	vperm.xlane v3, v0;
	_ =	sdelay $0x1  }
0x7c: {  	v4 =	vadd.s32 v1, v4;
	_ =	sdelay $0x3  }
0x7d: {  	s0 =	rddreg [dreg:$0x1c];
	v3 =	vperm.xlane v3, v2  }
0x7e: {  	[tilespmem:s0], [sflag:$0x1] =	stream.indirect_vreg.gather [hbm4b:s3+s2], $0x80, v4, vm0, $0xb8;
	[tilespmem:$0x18080] =	vst v63  }
0x7f: {  	s9 =	rddreg [dreg:$0x1d];
	v3 =	vadd.s32 v1, v3  }
0x80: {  	[tilespmem:s9], [sflag:$0x1] =	stream.indirect_vreg.gather [hbm4b:s4+s2], $0x80, v4, vm0, $0xb8;
	[tilespmem:$0x18080] =	vst v63  }
0x81: {  	s9 =	simm.s32 $0xD080  }
0x82: {  	[tilespmem:s9], [sflag:$0x1] =	stream.indirect_vreg.gather [hbm4b:s5+s2], $0x80, v4, vm0, $0xb8;
	[tilespmem:$0x18080] =	vst v63  }
0x83: {  	_ = 	snop  }
0x84: {  	[tilespmem:s10], [sflag:$0x1] =	stream.indirect_vreg.gather [hbm4b:s3+s2], $0x80, v3, vm0, $0xb8;
	[tilespmem:$0x18080] =	vst v63  }
0x85: {  	_ = 	snop  }
0x86: {  	[tilespmem:s11], [sflag:$0x1] =	stream.indirect_vreg.gather [hbm4b:s4+s2], $0x80, v3, vm0, $0xb8;
	[tilespmem:$0x18080] =	vst v63  }
0x87: {  	_ = 	snop  }
0x88: {  	[tilespmem:s12], [sflag:$0x1] =	stream.indirect_vreg.gather [hbm4b:s5+s2], $0x80, v3, vm0, $0xb8;
	[tilespmem:$0x18080] =	vst v63  }
0x89: {  	v3 =	vld [tilespmem:$0x50];
	_ =	sdelay $0x4  }
0x8a: {  	v61 =	vshrl.u32 v3, $0x3  }
0x8b: {  	v4 =	vmul.u32 $0x30, v61  }
0x8c: {  	v3 =	vand.u32 $0x7, v3  }
0x8d: {  	v3 =	vor.u32 v3, v4  }
0x8e: {  	v4 =	vperm.xlane v3, v0;
	_ =	sdelay $0x1  }
0x8f: {  	v4 =	vadd.s32 v1, v4;
	_ =	sdelay $0x3  }
0x90: {  	v3 =	vperm.xlane v3, v2  }
0x91: {  	[tilespmem:s13], [sflag:$0x1] =	stream.indirect_vreg.gather [hbm4b:s3+s2], $0x80, v4, vm0, $0xb8;
	[tilespmem:$0x18080] =	vst v63  }
0x92: {  	v3 =	vadd.s32 v1, v3  }
0x93: {  	[tilespmem:s14], [sflag:$0x1] =	stream.indirect_vreg.gather [hbm4b:s4+s2], $0x80, v4, vm0, $0xb8;
	[tilespmem:$0x18080] =	vst v63  }
0x94: {  	_ = 	snop  }
0x95: {  	[tilespmem:s15], [sflag:$0x1] =	stream.indirect_vreg.gather [hbm4b:s5+s2], $0x80, v4, vm0, $0xb8;
	[tilespmem:$0x18080] =	vst v63  }
0x96: {  	_ = 	snop  }
0x97: {  	[tilespmem:s16], [sflag:$0x1] =	stream.indirect_vreg.gather [hbm4b:s3+s2], $0x80, v3, vm0, $0xb8;
	[tilespmem:$0x18080] =	vst v63  }
0x98: {  	_ = 	snop  }
0x99: {  	[tilespmem:s17], [sflag:$0x1] =	stream.indirect_vreg.gather [hbm4b:s4+s2], $0x80, v3, vm0, $0xb8;
	[tilespmem:$0x18080] =	vst v63  }
0x9a: {  	_ = 	snop  }
0x9b: {  	[tilespmem:s18], [sflag:$0x1] =	stream.indirect_vreg.gather [hbm4b:s5+s2], $0x80, v3, vm0, $0xb8;
	[tilespmem:$0x18080] =	vst v63  }
0x9c: {  	v3 =	vld [tilespmem:$0x60];
	_ =	sdelay $0x4  }
0x9d: {  	v62 =	vshrl.u32 v3, $0x3  }
0x9e: {  	v4 =	vmul.u32 $0x30, v62  }
0x9f: {  	v3 =	vand.u32 $0x7, v3  }
0xa0: {  	v3 =	vor.u32 v3, v4  }
0xa1: {  	v4 =	vperm.xlane v3, v0;
	_ =	sdelay $0x1  }
0xa2: {  	v4 =	vadd.s32 v1, v4;
	_ =	sdelay $0x3  }
0xa3: {  	v3 =	vperm.xlane v3, v2  }
0xa4: {  	[tilespmem:s19], [sflag:$0x1] =	stream.indirect_vreg.gather [hbm4b:s3+s2], $0x80, v4, vm0, $0xb8;
	[tilespmem:$0x18080] =	vst v63  }
0xa5: {  	v3 =	vadd.s32 v1, v3  }
0xa6: {  	[tilespmem:s20], [sflag:$0x1] =	stream.indirect_vreg.gather [hbm4b:s4+s2], $0x80, v4, vm0, $0xb8;
	[tilespmem:$0x18080] =	vst v63  }
0xa7: {  	_ = 	snop  }
0xa8: {  	[tilespmem:s21], [sflag:$0x1] =	stream.indirect_vreg.gather [hbm4b:s5+s2], $0x80, v4, vm0, $0xb8;
	[tilespmem:$0x18080] =	vst v63  }
0xa9: {  	_ = 	snop  }
0xaa: {  	[tilespmem:s22], [sflag:$0x1] =	stream.indirect_vreg.gather [hbm4b:s3+s2], $0x80, v3, vm0, $0xb8;
	[tilespmem:$0x18080] =	vst v63  }
0xab: {  	_ = 	snop  }
0xac: {  	[tilespmem:s23], [sflag:$0x1] =	stream.indirect_vreg.gather [hbm4b:s4+s2], $0x80, v3, vm0, $0xb8;
	[tilespmem:$0x18080] =	vst v63  }
0xad: {  	_ = 	snop  }
0xae: {  	[tilespmem:s24], [sflag:$0x1] =	stream.indirect_vreg.gather [hbm4b:s5+s2], $0x80, v3, vm0, $0xb8;
	[tilespmem:$0x18080] =	vst v63  }
0xaf: {  	v3 =	vld [tilespmem:$0x70];
	_ =	sdelay $0x4  }
0xb0: {  	v63 =	vshrl.u32 v3, $0x3  }
0xb1: {  	v4 =	vmul.u32 $0x30, v63  }
0xb2: {  	v3 =	vand.u32 $0x7, v3  }
0xb3: {  	v3 =	vor.u32 v3, v4  }
0xb4: {  	v4 =	vperm.xlane v3, v0;
	_ =	sdelay $0x1  }
0xb5: {  	v4 =	vadd.s32 v1, v4;
	_ =	sdelay $0x3  }
0xb6: {  	v3 =	vperm.xlane v3, v2  }
0xb7: {  	[tilespmem:s25], [sflag:$0x1] =	stream.indirect_vreg.gather [hbm4b:s3+s2], $0x80, v4, vm0, $0xb8;
	[tilespmem:$0x18080] =	vst v63  }
0xb8: {  	v3 =	vadd.s32 v1, v3  }
0xb9: {  	[tilespmem:s26], [sflag:$0x1] =	stream.indirect_vreg.gather [hbm4b:s4+s2], $0x80, v4, vm0, $0xb8;
	[tilespmem:$0x18080] =	vst v63  }
0xba: {  	_ = 	snop  }
0xbb: {  	[tilespmem:s28], [sflag:$0x1] =	stream.indirect_vreg.gather [hbm4b:s5+s2], $0x80, v4, vm0, $0xb8;
	[tilespmem:$0x18080] =	vst v63  }
0xbc: {  	_ = 	snop  }
0xbd: {  	[tilespmem:s29], [sflag:$0x1] =	stream.indirect_vreg.gather [hbm4b:s3+s2], $0x80, v3, vm0, $0xb8;
	[tilespmem:$0x18080] =	vst v63  }
0xbe: {  	_ = 	snop  }
0xbf: {  	[tilespmem:s30], [sflag:$0x1] =	stream.indirect_vreg.gather [hbm4b:s4+s2], $0x80, v3, vm0, $0xb8;
	[tilespmem:$0x18080] =	vst v63  }
0xc0: {  	_ = 	snop  }
0xc1: {  	[tilespmem:s31], [sflag:$0x1] =	stream.indirect_vreg.gather [hbm4b:s5+s2], $0x80, v3, vm0, $0xb8;
	[tilespmem:$0x18080] =	vst v63  }
0xc2: {  	_ =	swait.ge [sflag:s1], $0x18000  }
0xc3: {  	p0 =	sne.s32 s6, $0x1;
	[sflag:s1] =	ssyncset.done $0x0  }
.Ltmp0:
0xc4: {  	s9 =	rddreg [dreg:$0x4];
	[sflag:s1] =	ssyncadd.s32 $0xFFFE8000;
	(pc) =	sbr.rel @p0 .LBB2_1-.Ltmp0, $4  }
0xc5: {  	[hbm4b:s9+s2] =	stream.linear.scatter [tilespmem:s8], [sflag:$0x2], $0x18000, $0x38;
	[tilespmem:$0x18080] =	vst v63  }
0xc6: {  	_ =	swait.ge [sflag:s7], $0x18000  }
0xc7: {  	[sflag:s7] =	ssyncset.done $0x0  }
0xc8: {  	s6 =	sadd.s32 $0xFFFFFFFF, s6;
	[sflag:s7] =	ssyncadd.s32 $0xFFFE8000  }
0xc9: {  	_ =	sfence.sel $0x180000  }
0xca: {  	[bflag:$0x0] =	sbarrier.arrive $0xFFFF  }
0xcb: {  	_ =	strace $0x9000004A  }
0xcc: {  	s0 =	stileid.u32;
	[bflag:$0x2] =	sbarrier.arrive $0xFFFF  }
0xcd: {  	p0 =	sne.s32 s0, $0x0;
	s0 =	rddreg [dreg:$0x2]  }
0xce: {  	s0 =	sadd.s32 @!p0 $0x100000, s0  }
0xcf: {  	[sflag:s0] =	ssyncadd.tile.s32 @!p0 $0x1;
	_ =	shalt  }
.Lfunc_end2:
_tile_overlayer_lowered:
.L_overlay_start_2:
0xd0: {  	(tag) =	ssettag $0x2  }
0xd1: {  	s0 =	rddreg [dreg:$0x0];
	s2 =	stileid.u32  }
0xd2: {  	s1 =	rddreg [dreg:$0x1];
	p0 =	sne.s32 s2, $0x0  }
0xd3: {  	s3 =	rddreg [dreg:$0x2];
	[bflag:$0x3] =	sbarrier.arrive $0xFFFF;
	s2 =	simm.s32 @!p0 $0x1C02  }
0xd4: {  	[timem:s3], [sflag:s2] =	dma.local @!p0 [hbm:s0], s1  }
0xd5: {  	s0 =	simm.s32 @!p0 $0x2  }
0xd6: {  	_ =	swait.ge @!p0 [sflag:s0], s1  }
0xd7: {  	s1 =	ssub.s32 @!p0 $0x0, s1;
	[sflag:s0] =	ssyncset.done @!p0 $0x0  }
0xd8: {  	[sflag:s0] =	ssyncadd.s32 @!p0 s1  }
0xd9: {  	[bflag:$0x3] =	sbarrier.arrive $0xFFFF  }
0xda: {  	_ =	shalt  }

</sc_bundles>
